<compile_context>
chip_gen: v7x
topology: tpu7x:2x2x1
jax: 0.10.2.dev20260603
libtpu: 0.0.44.dev20260713+nightly
codegen_flags: <defaults>
</compile_context>

<pallas_src>
import functools

import jax
import jax.numpy as jnp
from jax import lax
from jax.experimental import pallas as pl
from jax.experimental.pallas import tpu as pltpu
from jax.experimental.pallas import tpu_sc as plsc

NC, NS = 2, 16
NW = NC * NS
C = 128
D = 32
NBUF = 4


def _make_kernel(N, V, K):
    nblk = N // K
    assert nblk * K == N
    rounds = nblk // NW
    assert rounds * NW == nblk
    assert rounds % NBUF == 0 and rounds // NBUF >= 2
    groups = rounds // NBUF
    CH = K // C
    assert CH * C == K
    mesh = plsc.VectorSubcoreMesh(core_axis_name="c", subcore_axis_name="s")

    @functools.partial(
        pl.kernel,
        out_type=jax.ShapeDtypeStruct((N, D), jnp.float32),
        mesh=mesh,
        scratch_types=[
            pltpu.VMEM((NBUF, K), jnp.int32),
            pltpu.VMEM((K, D), jnp.float32),
            pltpu.VMEM((K, D), jnp.float32),
            pltpu.VMEM((K, D), jnp.float32),
            pltpu.VMEM((K, D), jnp.float32),
        ]
        + [pltpu.SemaphoreType.DMA] * (3 * NBUF),
        compiler_params=pltpu.CompilerParams(use_tc_tiling_on_sc=False),
    )
    def k(table_hbm, idx_hbm, out_hbm, idx_v, b0, b1, b2, b3, *sems):
        rows = [b0, b1, b2, b3]
        gs = sems[0:NBUF]
        os_ = sems[NBUF:2 * NBUF]
        is_ = sems[2 * NBUF:3 * NBUF]
        wid = lax.axis_index("s") * NC + lax.axis_index("c")

        def off(r):
            return (r * NW + wid) * K

        def fire_idx(r, j):
            pltpu.async_copy(idx_hbm.at[pl.ds(off(r), K)], idx_v.at[j], is_[j])

        def wait_idx(j):
            pltpu.make_async_copy(
                idx_hbm.at[pl.ds(0, K)], idx_v.at[j], is_[j]
            ).wait()

        def fire_g(j):
            for c in range(CH):
                pltpu.async_copy(
                    table_hbm.at[idx_v.at[j].at[pl.ds(c * C, C)]],
                    rows[j].at[pl.ds(c * C, C)],
                    gs[j],
                )

        def wait_g(j):
            pltpu.make_async_copy(
                table_hbm.at[pl.ds(0, K)], rows[j], gs[j]
            ).wait()

        def fire_s(r, j):
            pltpu.async_copy(rows[j], out_hbm.at[pl.ds(off(r), K)], os_[j])

        def wait_s(j):
            pltpu.make_async_copy(
                rows[j], out_hbm.at[pl.ds(0, K)], os_[j]
            ).wait()

        fire_idx(0, 0)
        for j in range(NBUF):
            wait_idx(j)
            fire_g(j)
            fire_idx(j + 1, (j + 1) % NBUF)
            if j > 0:
                wait_g(j - 1)
                fire_s(j - 1, j - 1)

        def group(g, carry):
            for j in range(NBUF):
                r = g * NBUF + j
                wait_s(j)
                wait_idx(j)
                fire_g(j)
                fire_idx(r + 1, (j + 1) % NBUF)
                jp = (j - 1) % NBUF
                wait_g(jp)
                fire_s(r - 1, jp)
            return carry

        lax.fori_loop(1, groups - 1, group, 0)

        gT = groups - 1
        for j in range(NBUF):
            r = gT * NBUF + j
            wait_s(j)
            wait_idx(j)
            fire_g(j)
            if j + 1 < NBUF:
                fire_idx(r + 1, (j + 1) % NBUF)
            jp = (j - 1) % NBUF
            wait_g(jp)
            fire_s(r - 1, jp)

        wait_g(NBUF - 1)
        fire_s(rounds - 1, NBUF - 1)
        for j in range(NBUF):
            wait_s(j)

    return k


def kernel(inputs, weight):
    B, S = inputs.shape
    V, D_ = weight.shape
    flat = jnp.transpose(inputs).reshape(-1).astype(jnp.int32)
    out = _make_kernel(B * S, V, 256)(weight, flat)
    return jnp.transpose(out.reshape(S, B, D_), (1, 0, 2))

# --- scband reference (transcript-rebuilt; emitter-appended) ---
"""Pipeline reference for scband-embedding-51135880626717 (READ-ONLY COPY).

The authoritative reference and input builder live on the scoring server;
editing this copy changes nothing except your own understanding.
"""

import jax, jax.numpy as jnp
import numpy as np

NUM_EMBEDDINGS = 1000000
EMBEDDING_DIM = 32

def _xavier_uniform(key, shape, dtype=jnp.float32):
    fan_in, fan_out = shape[1], shape[0]
    a = float(np.sqrt(6.0 / (fan_in + fan_out)))
    return jax.random.uniform(key, shape, dtype=dtype, minval=-a, maxval=a)

def setup_inputs(seed: int = 0) -> dict:
    key = jax.random.key(seed)
    k_idx, k_w = jax.random.split(key)
    inputs = jax.random.randint(k_idx, (16384, 50), 0, NUM_EMBEDDINGS, dtype=jnp.int64 if jax.config.jax_enable_x64 else jnp.int32)
    weight = _xavier_uniform(k_w, (NUM_EMBEDDINGS, EMBEDDING_DIM))
    return {"inputs": inputs, "weight": weight}

def reference(inputs, weight):
    original_shape = inputs.shape
    flat = inputs.reshape(-1)
    embedded = jnp.take(weight, flat, axis=0)
    embedded = embedded.reshape(original_shape + (weight.shape[1],))
    return embedded

if __name__ == "__main__":
    import jax
    _d = setup_inputs()
    print(jax.jit(kernel)(*tuple(_d.values())))

</pallas_src>

<mosaic_0001>
#map = affine_map<(d0, d1) -> (0, 0)>
#map1 = affine_map<(d0, d1) -> (0)>
module attributes {stable_mosaic.version = 14 : i64} {
  func.func @k(%arg0: i32, %arg1: i32, %arg2: memref<1000000x32xf32, #tpu.memory_space<hbm>>, %arg3: memref<819200xi32, #tpu.memory_space<hbm>>, %arg4: memref<819200x32xf32, #tpu.memory_space<hbm>>, %arg5: memref<4x256xi32, #tpu.memory_space<vmem>>, %arg6: memref<256x32xf32, #tpu.memory_space<vmem>>, %arg7: memref<256x32xf32, #tpu.memory_space<vmem>>, %arg8: memref<256x32xf32, #tpu.memory_space<vmem>>, %arg9: memref<256x32xf32, #tpu.memory_space<vmem>>, %arg10: memref<!tpu.dma_semaphore, #tpu.memory_space<semaphore_mem>>, %arg11: memref<!tpu.dma_semaphore, #tpu.memory_space<semaphore_mem>>, %arg12: memref<!tpu.dma_semaphore, #tpu.memory_space<semaphore_mem>>, %arg13: memref<!tpu.dma_semaphore, #tpu.memory_space<semaphore_mem>>, %arg14: memref<!tpu.dma_semaphore, #tpu.memory_space<semaphore_mem>>, %arg15: memref<!tpu.dma_semaphore, #tpu.memory_space<semaphore_mem>>, %arg16: memref<!tpu.dma_semaphore, #tpu.memory_space<semaphore_mem>>, %arg17: memref<!tpu.dma_semaphore, #tpu.memory_space<semaphore_mem>>, %arg18: memref<!tpu.dma_semaphore, #tpu.memory_space<semaphore_mem>>, %arg19: memref<!tpu.dma_semaphore, #tpu.memory_space<semaphore_mem>>, %arg20: memref<!tpu.dma_semaphore, #tpu.memory_space<semaphore_mem>>, %arg21: memref<!tpu.dma_semaphore, #tpu.memory_space<semaphore_mem>>) attributes {dimension_semantics = [#tpu.dimension_semantics<core_parallel>, #tpu.dimension_semantics<subcore_parallel>], iteration_bounds = array<i64: 2, 16>, scalar_prefetch = 0 : i64, scratch_operands = 17 : i64, tpu.core_type = #tpu.core_type<sc_vector_subcore>, window_params = [{transform_indices = #map}, {transform_indices = #map1}, {transform_indices = #map}]} {
    %mul3A = arith.constant 2 : i32
    %mul3A_0 = arith.muli %arg1, %mul3A : i32
    %add3A = arith.addi %mul3A_0, %arg0 : i32
    %add3A_1 = arith.constant 0 : i32
    %add3A_2 = arith.addi %add3A_1, %add3A : i32
    %mul3A_3 = arith.constant 256 : i32
    %mul3A_4 = arith.muli %add3A_2, %mul3A_3 : i32
    %dma_start3A = arith.constant 0 : i32
    %dma_start3A_5 = arith.constant 0 : i32
    %dma_start3A_6 = tpu.memref_slice %arg5[%dma_start3A, %dma_start3A_5] : memref<4x256xi32, #tpu.memory_space<vmem>> -> memref<1x256xi32, #tpu.memory_space<vmem>>
    %dma_start3A_7 = tpu.memref_squeeze %dma_start3A_6 : memref<1x256xi32, #tpu.memory_space<vmem>> -> memref<256xi32, #tpu.memory_space<vmem>>
    %dma_start3A_8 = tpu.memref_slice %arg3[%mul3A_4] : memref<819200xi32, #tpu.memory_space<hbm>> -> memref<256xi32, #tpu.memory_space<hbm>>
    %dma_start3A_9 = arith.constant 0 : i32
    %dma_start3A_10 = tpu.memref_slice %arg5[%dma_start3A, %dma_start3A_9] : memref<4x256xi32, #tpu.memory_space<vmem>> -> memref<1x256xi32, #tpu.memory_space<vmem>>
    %dma_start3A_11 = tpu.memref_squeeze %dma_start3A_10 : memref<1x256xi32, #tpu.memory_space<vmem>> -> memref<256xi32, #tpu.memory_space<vmem>>
    %dma_start3A_12 = tpu.memref_slice %arg3[%mul3A_4] : memref<819200xi32, #tpu.memory_space<hbm>> -> memref<256xi32, #tpu.memory_space<hbm>>
    tpu.enqueue_dma source(%dma_start3A_12 : memref<256xi32, #tpu.memory_space<hbm>>) target(%dma_start3A_11 : memref<256xi32, #tpu.memory_space<vmem>>) target_semaphore(%arg18 : memref<!tpu.dma_semaphore, #tpu.memory_space<semaphore_mem>>)
    %dma_wait3A = arith.constant 0 : i32
    %dma_wait3A_13 = arith.constant 0 : i32
    %dma_wait3A_14 = tpu.memref_slice %arg5[%dma_wait3A, %dma_wait3A_13] : memref<4x256xi32, #tpu.memory_space<vmem>> -> memref<1x256xi32, #tpu.memory_space<vmem>>
    %dma_wait3A_15 = tpu.memref_squeeze %dma_wait3A_14 : memref<1x256xi32, #tpu.memory_space<vmem>> -> memref<256xi32, #tpu.memory_space<vmem>>
    %dma_wait3A_16 = arith.constant 0 : i32
    %dma_wait3A_17 = tpu.memref_slice %arg3[%dma_wait3A_16] : memref<819200xi32, #tpu.memory_space<hbm>> -> memref<256xi32, #tpu.memory_space<hbm>>
    %dma_wait3A_18 = arith.constant 0 : i32
    %dma_wait3A_19 = tpu.memref_slice %arg5[%dma_wait3A, %dma_wait3A_18] : memref<4x256xi32, #tpu.memory_space<vmem>> -> memref<1x256xi32, #tpu.memory_space<vmem>>
    %dma_wait3A_20 = tpu.memref_squeeze %dma_wait3A_19 : memref<1x256xi32, #tpu.memory_space<vmem>> -> memref<256xi32, #tpu.memory_space<vmem>>
    %dma_wait3A_21 = arith.constant 0 : i32
    %dma_wait3A_22 = tpu.memref_slice %arg3[%dma_wait3A_21] : memref<819200xi32, #tpu.memory_space<hbm>> -> memref<256xi32, #tpu.memory_space<hbm>>
    tpu.wait_dma2 semaphore(%arg18 : memref<!tpu.dma_semaphore, #tpu.memory_space<semaphore_mem>>) src(%dma_wait3A_22 : memref<256xi32, #tpu.memory_space<hbm>>) dst(%dma_wait3A_20 : memref<256xi32, #tpu.memory_space<vmem>>)
    %dma_start3A_23 = arith.constant 0 : i32
    %dma_start3A_24 = arith.constant 0 : i32
    %dma_start3A_25 = arith.constant 0 : i32
    %dma_start3A_26 = tpu.memref_slice %arg6[%dma_start3A_24, %dma_start3A_25] : memref<256x32xf32, #tpu.memory_space<vmem>> -> memref<128x32xf32, #tpu.memory_space<vmem>>
    %dma_start3A_27 = arith.constant 0 : i32
    %dma_start3A_28 = tpu.memref_slice %arg5[%dma_start3A_23, %dma_start3A_27] : memref<4x256xi32, #tpu.memory_space<vmem>> -> memref<1x256xi32, #tpu.memory_space<vmem>>
    %dma_start3A_29 = tpu.memref_squeeze %dma_start3A_28 : memref<1x256xi32, #tpu.memory_space<vmem>> -> memref<256xi32, #tpu.memory_space<vmem>>
    %dma_start3A_30 = arith.constant 0 : i32
    %dma_start3A_31 = tpu.memref_slice %dma_start3A_29[%dma_start3A_30] : memref<256xi32, #tpu.memory_space<vmem>> -> memref<128xi32, #tpu.memory_space<vmem>>
    %dma_start3A_32 = arith.constant 0 : i32
    %dma_start3A_33 = arith.constant 0 : i32
    %dma_start3A_34 = tpu.memref_slice %arg2[%dma_start3A_32, %dma_start3A_33] : memref<1000000x32xf32, #tpu.memory_space<hbm>> -> memref<1000000x32xf32, #tpu.memory_space<hbm>>
    tpu.enqueue_indirect_dma source(%dma_start3A_34 : memref<1000000x32xf32, #tpu.memory_space<hbm>>) target(%dma_start3A_26 : memref<128x32xf32, #tpu.memory_space<vmem>>) offsets(%dma_start3A_31 : memref<128xi32, #tpu.memory_space<vmem>>) semaphore(%arg10 : memref<!tpu.dma_semaphore, #tpu.memory_space<semaphore_mem>>)
    %dma_start3A_35 = arith.constant 0 : i32
    %dma_start3A_36 = arith.constant 128 : i32
    %dma_start3A_37 = arith.constant 0 : i32
    %dma_start3A_38 = tpu.memref_slice %arg6[%dma_start3A_36, %dma_start3A_37] : memref<256x32xf32, #tpu.memory_space<vmem>> -> memref<128x32xf32, #tpu.memory_space<vmem>>
    %dma_start3A_39 = arith.constant 0 : i32
    %dma_start3A_40 = tpu.memref_slice %arg5[%dma_start3A_35, %dma_start3A_39] : memref<4x256xi32, #tpu.memory_space<vmem>> -> memref<1x256xi32, #tpu.memory_space<vmem>>
    %dma_start3A_41 = tpu.memref_squeeze %dma_start3A_40 : memref<1x256xi32, #tpu.memory_space<vmem>> -> memref<256xi32, #tpu.memory_space<vmem>>
    %dma_start3A_42 = arith.constant 128 : i32
    %dma_start3A_43 = tpu.memref_slice %dma_start3A_41[%dma_start3A_42] : memref<256xi32, #tpu.memory_space<vmem>> -> memref<128xi32, #tpu.memory_space<vmem>>
    %dma_start3A_44 = arith.constant 0 : i32
    %dma_start3A_45 = arith.constant 0 : i32
    %dma_start3A_46 = tpu.memref_slice %arg2[%dma_start3A_44, %dma_start3A_45] : memref<1000000x32xf32, #tpu.memory_space<hbm>> -> memref<1000000x32xf32, #tpu.memory_space<hbm>>
    tpu.enqueue_indirect_dma source(%dma_start3A_46 : memref<1000000x32xf32, #tpu.memory_space<hbm>>) target(%dma_start3A_38 : memref<128x32xf32, #tpu.memory_space<vmem>>) offsets(%dma_start3A_43 : memref<128xi32, #tpu.memory_space<vmem>>) semaphore(%arg10 : memref<!tpu.dma_semaphore, #tpu.memory_space<semaphore_mem>>)
    %add3A_47 = arith.constant 32 : i32
    %add3A_48 = arith.addi %add3A_47, %add3A : i32
    %mul3A_49 = arith.constant 256 : i32
    %mul3A_50 = arith.muli %add3A_48, %mul3A_49 : i32
    %dma_start3A_51 = arith.constant 1 : i32
    %dma_start3A_52 = arith.constant 0 : i32
    %dma_start3A_53 = tpu.memref_slice %arg5[%dma_start3A_51, %dma_start3A_52] : memref<4x256xi32, #tpu.memory_space<vmem>> -> memref<1x256xi32, #tpu.memory_space<vmem>>
    %dma_start3A_54 = tpu.memref_squeeze %dma_start3A_53 : memref<1x256xi32, #tpu.memory_space<vmem>> -> memref<256xi32, #tpu.memory_space<vmem>>
    %dma_start3A_55 = tpu.memref_slice %arg3[%mul3A_50] : memref<819200xi32, #tpu.memory_space<hbm>> -> memref<256xi32, #tpu.memory_space<hbm>>
    %dma_start3A_56 = arith.constant 0 : i32
    %dma_start3A_57 = tpu.memref_slice %arg5[%dma_start3A_51, %dma_start3A_56] : memref<4x256xi32, #tpu.memory_space<vmem>> -> memref<1x256xi32, #tpu.memory_space<vmem>>
    %dma_start3A_58 = tpu.memref_squeeze %dma_start3A_57 : memref<1x256xi32, #tpu.memory_space<vmem>> -> memref<256xi32, #tpu.memory_space<vmem>>
    %dma_start3A_59 = tpu.memref_slice %arg3[%mul3A_50] : memref<819200xi32, #tpu.memory_space<hbm>> -> memref<256xi32, #tpu.memory_space<hbm>>
    tpu.enqueue_dma source(%dma_start3A_59 : memref<256xi32, #tpu.memory_space<hbm>>) target(%dma_start3A_58 : memref<256xi32, #tpu.memory_space<vmem>>) target_semaphore(%arg19 : memref<!tpu.dma_semaphore, #tpu.memory_space<semaphore_mem>>)
    %dma_wait3A_60 = arith.constant 1 : i32
    %dma_wait3A_61 = arith.constant 0 : i32
    %dma_wait3A_62 = tpu.memref_slice %arg5[%dma_wait3A_60, %dma_wait3A_61] : memref<4x256xi32, #tpu.memory_space<vmem>> -> memref<1x256xi32, #tpu.memory_space<vmem>>
    %dma_wait3A_63 = tpu.memref_squeeze %dma_wait3A_62 : memref<1x256xi32, #tpu.memory_space<vmem>> -> memref<256xi32, #tpu.memory_space<vmem>>
    %dma_wait3A_64 = arith.constant 0 : i32
    %dma_wait3A_65 = tpu.memref_slice %arg3[%dma_wait3A_64] : memref<819200xi32, #tpu.memory_space<hbm>> -> memref<256xi32, #tpu.memory_space<hbm>>
    %dma_wait3A_66 = arith.constant 0 : i32
    %dma_wait3A_67 = tpu.memref_slice %arg5[%dma_wait3A_60, %dma_wait3A_66] : memref<4x256xi32, #tpu.memory_space<vmem>> -> memref<1x256xi32, #tpu.memory_space<vmem>>
    %dma_wait3A_68 = tpu.memref_squeeze %dma_wait3A_67 : memref<1x256xi32, #tpu.memory_space<vmem>> -> memref<256xi32, #tpu.memory_space<vmem>>
    %dma_wait3A_69 = arith.constant 0 : i32
    %dma_wait3A_70 = tpu.memref_slice %arg3[%dma_wait3A_69] : memref<819200xi32, #tpu.memory_space<hbm>> -> memref<256xi32, #tpu.memory_space<hbm>>
    tpu.wait_dma2 semaphore(%arg19 : memref<!tpu.dma_semaphore, #tpu.memory_space<semaphore_mem>>) src(%dma_wait3A_70 : memref<256xi32, #tpu.memory_space<hbm>>) dst(%dma_wait3A_68 : memref<256xi32, #tpu.memory_space<vmem>>)
    %dma_start3A_71 = arith.constant 1 : i32
    %dma_start3A_72 = arith.constant 0 : i32
    %dma_start3A_73 = arith.constant 0 : i32
    %dma_start3A_74 = tpu.memref_slice %arg7[%dma_start3A_72, %dma_start3A_73] : memref<256x32xf32, #tpu.memory_space<vmem>> -> memref<128x32xf32, #tpu.memory_space<vmem>>
    %dma_start3A_75 = arith.constant 0 : i32
    %dma_start3A_76 = tpu.memref_slice %arg5[%dma_start3A_71, %dma_start3A_75] : memref<4x256xi32, #tpu.memory_space<vmem>> -> memref<1x256xi32, #tpu.memory_space<vmem>>
    %dma_start3A_77 = tpu.memref_squeeze %dma_start3A_76 : memref<1x256xi32, #tpu.memory_space<vmem>> -> memref<256xi32, #tpu.memory_space<vmem>>
    %dma_start3A_78 = arith.constant 0 : i32
    %dma_start3A_79 = tpu.memref_slice %dma_start3A_77[%dma_start3A_78] : memref<256xi32, #tpu.memory_space<vmem>> -> memref<128xi32, #tpu.memory_space<vmem>>
    %dma_start3A_80 = arith.constant 0 : i32
    %dma_start3A_81 = arith.constant 0 : i32
    %dma_start3A_82 = tpu.memref_slice %arg2[%dma_start3A_80, %dma_start3A_81] : memref<1000000x32xf32, #tpu.memory_space<hbm>> -> memref<1000000x32xf32, #tpu.memory_space<hbm>>
    tpu.enqueue_indirect_dma source(%dma_start3A_82 : memref<1000000x32xf32, #tpu.memory_space<hbm>>) target(%dma_start3A_74 : memref<128x32xf32, #tpu.memory_space<vmem>>) offsets(%dma_start3A_79 : memref<128xi32, #tpu.memory_space<vmem>>) semaphore(%arg11 : memref<!tpu.dma_semaphore, #tpu.memory_space<semaphore_mem>>)
    %dma_start3A_83 = arith.constant 1 : i32
    %dma_start3A_84 = arith.constant 128 : i32
    %dma_start3A_85 = arith.constant 0 : i32
    %dma_start3A_86 = tpu.memref_slice %arg7[%dma_start3A_84, %dma_start3A_85] : memref<256x32xf32, #tpu.memory_space<vmem>> -> memref<128x32xf32, #tpu.memory_space<vmem>>
    %dma_start3A_87 = arith.constant 0 : i32
    %dma_start3A_88 = tpu.memref_slice %arg5[%dma_start3A_83, %dma_start3A_87] : memref<4x256xi32, #tpu.memory_space<vmem>> -> memref<1x256xi32, #tpu.memory_space<vmem>>
    %dma_start3A_89 = tpu.memref_squeeze %dma_start3A_88 : memref<1x256xi32, #tpu.memory_space<vmem>> -> memref<256xi32, #tpu.memory_space<vmem>>
    %dma_start3A_90 = arith.constant 128 : i32
    %dma_start3A_91 = tpu.memref_slice %dma_start3A_89[%dma_start3A_90] : memref<256xi32, #tpu.memory_space<vmem>> -> memref<128xi32, #tpu.memory_space<vmem>>
    %dma_start3A_92 = arith.constant 0 : i32
    %dma_start3A_93 = arith.constant 0 : i32
    %dma_start3A_94 = tpu.memref_slice %arg2[%dma_start3A_92, %dma_start3A_93] : memref<1000000x32xf32, #tpu.memory_space<hbm>> -> memref<1000000x32xf32, #tpu.memory_space<hbm>>
    tpu.enqueue_indirect_dma source(%dma_start3A_94 : memref<1000000x32xf32, #tpu.memory_space<hbm>>) target(%dma_start3A_86 : memref<128x32xf32, #tpu.memory_space<vmem>>) offsets(%dma_start3A_91 : memref<128xi32, #tpu.memory_space<vmem>>) semaphore(%arg11 : memref<!tpu.dma_semaphore, #tpu.memory_space<semaphore_mem>>)
    %add3A_95 = arith.constant 64 : i32
    %add3A_96 = arith.addi %add3A_95, %add3A : i32
    %mul3A_97 = arith.constant 256 : i32
    %mul3A_98 = arith.muli %add3A_96, %mul3A_97 : i32
    %dma_start3A_99 = arith.constant 2 : i32
    %dma_start3A_100 = arith.constant 0 : i32
    %dma_start3A_101 = tpu.memref_slice %arg5[%dma_start3A_99, %dma_start3A_100] : memref<4x256xi32, #tpu.memory_space<vmem>> -> memref<1x256xi32, #tpu.memory_space<vmem>>
    %dma_start3A_102 = tpu.memref_squeeze %dma_start3A_101 : memref<1x256xi32, #tpu.memory_space<vmem>> -> memref<256xi32, #tpu.memory_space<vmem>>
    %dma_start3A_103 = tpu.memref_slice %arg3[%mul3A_98] : memref<819200xi32, #tpu.memory_space<hbm>> -> memref<256xi32, #tpu.memory_space<hbm>>
    %dma_start3A_104 = arith.constant 0 : i32
    %dma_start3A_105 = tpu.memref_slice %arg5[%dma_start3A_99, %dma_start3A_104] : memref<4x256xi32, #tpu.memory_space<vmem>> -> memref<1x256xi32, #tpu.memory_space<vmem>>
    %dma_start3A_106 = tpu.memref_squeeze %dma_start3A_105 : memref<1x256xi32, #tpu.memory_space<vmem>> -> memref<256xi32, #tpu.memory_space<vmem>>
    %dma_start3A_107 = tpu.memref_slice %arg3[%mul3A_98] : memref<819200xi32, #tpu.memory_space<hbm>> -> memref<256xi32, #tpu.memory_space<hbm>>
    tpu.enqueue_dma source(%dma_start3A_107 : memref<256xi32, #tpu.memory_space<hbm>>) target(%dma_start3A_106 : memref<256xi32, #tpu.memory_space<vmem>>) target_semaphore(%arg20 : memref<!tpu.dma_semaphore, #tpu.memory_space<semaphore_mem>>)
    %dma_wait3A_108 = arith.constant 0 : i32
    %dma_wait3A_109 = arith.constant 0 : i32
    %dma_wait3A_110 = tpu.memref_slice %arg2[%dma_wait3A_108, %dma_wait3A_109] : memref<1000000x32xf32, #tpu.memory_space<hbm>> -> memref<256x32xf32, #tpu.memory_space<hbm>>
    %dma_wait3A_111 = arith.constant 0 : i32
    %dma_wait3A_112 = arith.constant 0 : i32
    %dma_wait3A_113 = tpu.memref_slice %arg2[%dma_wait3A_111, %dma_wait3A_112] : memref<1000000x32xf32, #tpu.memory_space<hbm>> -> memref<256x32xf32, #tpu.memory_space<hbm>>
    tpu.wait_dma2 semaphore(%arg10 : memref<!tpu.dma_semaphore, #tpu.memory_space<semaphore_mem>>) src(%dma_wait3A_113 : memref<256x32xf32, #tpu.memory_space<hbm>>) dst(%arg6 : memref<256x32xf32, #tpu.memory_space<vmem>>)
    %add3A_114 = arith.constant 0 : i32
    %add3A_115 = arith.addi %add3A_114, %add3A : i32
    %mul3A_116 = arith.constant 256 : i32
    %mul3A_117 = arith.muli %add3A_115, %mul3A_116 : i32
    %dma_start3A_118 = arith.constant 0 : i32
    %dma_start3A_119 = tpu.memref_slice %arg4[%mul3A_117, %dma_start3A_118] : memref<819200x32xf32, #tpu.memory_space<hbm>> -> memref<256x32xf32, #tpu.memory_space<hbm>>
    %dma_start3A_120 = arith.constant 0 : i32
    %dma_start3A_121 = tpu.memref_slice %arg4[%mul3A_117, %dma_start3A_120] : memref<819200x32xf32, #tpu.memory_space<hbm>> -> memref<256x32xf32, #tpu.memory_space<hbm>>
    tpu.enqueue_dma source(%arg6 : memref<256x32xf32, #tpu.memory_space<vmem>>) target(%dma_start3A_121 : memref<256x32xf32, #tpu.memory_space<hbm>>) target_semaphore(%arg14 : memref<!tpu.dma_semaphore, #tpu.memory_space<semaphore_mem>>)
    %dma_wait3A_122 = arith.constant 2 : i32
    %dma_wait3A_123 = arith.constant 0 : i32
    %dma_wait3A_124 = tpu.memref_slice %arg5[%dma_wait3A_122, %dma_wait3A_123] : memref<4x256xi32, #tpu.memory_space<vmem>> -> memref<1x256xi32, #tpu.memory_space<vmem>>
    %dma_wait3A_125 = tpu.memref_squeeze %dma_wait3A_124 : memref<1x256xi32, #tpu.memory_space<vmem>> -> memref<256xi32, #tpu.memory_space<vmem>>
    %dma_wait3A_126 = arith.constant 0 : i32
    %dma_wait3A_127 = tpu.memref_slice %arg3[%dma_wait3A_126] : memref<819200xi32, #tpu.memory_space<hbm>> -> memref<256xi32, #tpu.memory_space<hbm>>
    %dma_wait3A_128 = arith.constant 0 : i32
    %dma_wait3A_129 = tpu.memref_slice %arg5[%dma_wait3A_122, %dma_wait3A_128] : memref<4x256xi32, #tpu.memory_space<vmem>> -> memref<1x256xi32, #tpu.memory_space<vmem>>
    %dma_wait3A_130 = tpu.memref_squeeze %dma_wait3A_129 : memref<1x256xi32, #tpu.memory_space<vmem>> -> memref<256xi32, #tpu.memory_space<vmem>>
    %dma_wait3A_131 = arith.constant 0 : i32
    %dma_wait3A_132 = tpu.memref_slice %arg3[%dma_wait3A_131] : memref<819200xi32, #tpu.memory_space<hbm>> -> memref<256xi32, #tpu.memory_space<hbm>>
    tpu.wait_dma2 semaphore(%arg20 : memref<!tpu.dma_semaphore, #tpu.memory_space<semaphore_mem>>) src(%dma_wait3A_132 : memref<256xi32, #tpu.memory_space<hbm>>) dst(%dma_wait3A_130 : memref<256xi32, #tpu.memory_space<vmem>>)
    %dma_start3A_133 = arith.constant 2 : i32
    %dma_start3A_134 = arith.constant 0 : i32
    %dma_start3A_135 = arith.constant 0 : i32
    %dma_start3A_136 = tpu.memref_slice %arg8[%dma_start3A_134, %dma_start3A_135] : memref<256x32xf32, #tpu.memory_space<vmem>> -> memref<128x32xf32, #tpu.memory_space<vmem>>
    %dma_start3A_137 = arith.constant 0 : i32
    %dma_start3A_138 = tpu.memref_slice %arg5[%dma_start3A_133, %dma_start3A_137] : memref<4x256xi32, #tpu.memory_space<vmem>> -> memref<1x256xi32, #tpu.memory_space<vmem>>
    %dma_start3A_139 = tpu.memref_squeeze %dma_start3A_138 : memref<1x256xi32, #tpu.memory_space<vmem>> -> memref<256xi32, #tpu.memory_space<vmem>>
    %dma_start3A_140 = arith.constant 0 : i32
    %dma_start3A_141 = tpu.memref_slice %dma_start3A_139[%dma_start3A_140] : memref<256xi32, #tpu.memory_space<vmem>> -> memref<128xi32, #tpu.memory_space<vmem>>
    %dma_start3A_142 = arith.constant 0 : i32
    %dma_start3A_143 = arith.constant 0 : i32
    %dma_start3A_144 = tpu.memref_slice %arg2[%dma_start3A_142, %dma_start3A_143] : memref<1000000x32xf32, #tpu.memory_space<hbm>> -> memref<1000000x32xf32, #tpu.memory_space<hbm>>
    tpu.enqueue_indirect_dma source(%dma_start3A_144 : memref<1000000x32xf32, #tpu.memory_space<hbm>>) target(%dma_start3A_136 : memref<128x32xf32, #tpu.memory_space<vmem>>) offsets(%dma_start3A_141 : memref<128xi32, #tpu.memory_space<vmem>>) semaphore(%arg12 : memref<!tpu.dma_semaphore, #tpu.memory_space<semaphore_mem>>)
    %dma_start3A_145 = arith.constant 2 : i32
    %dma_start3A_146 = arith.constant 128 : i32
    %dma_start3A_147 = arith.constant 0 : i32
    %dma_start3A_148 = tpu.memref_slice %arg8[%dma_start3A_146, %dma_start3A_147] : memref<256x32xf32, #tpu.memory_space<vmem>> -> memref<128x32xf32, #tpu.memory_space<vmem>>
    %dma_start3A_149 = arith.constant 0 : i32
    %dma_start3A_150 = tpu.memref_slice %arg5[%dma_start3A_145, %dma_start3A_149] : memref<4x256xi32, #tpu.memory_space<vmem>> -> memref<1x256xi32, #tpu.memory_space<vmem>>
    %dma_start3A_151 = tpu.memref_squeeze %dma_start3A_150 : memref<1x256xi32, #tpu.memory_space<vmem>> -> memref<256xi32, #tpu.memory_space<vmem>>
    %dma_start3A_152 = arith.constant 128 : i32
    %dma_start3A_153 = tpu.memref_slice %dma_start3A_151[%dma_start3A_152] : memref<256xi32, #tpu.memory_space<vmem>> -> memref<128xi32, #tpu.memory_space<vmem>>
    %dma_start3A_154 = arith.constant 0 : i32
    %dma_start3A_155 = arith.constant 0 : i32
    %dma_start3A_156 = tpu.memref_slice %arg2[%dma_start3A_154, %dma_start3A_155] : memref<1000000x32xf32, #tpu.memory_space<hbm>> -> memref<1000000x32xf32, #tpu.memory_space<hbm>>
    tpu.enqueue_indirect_dma source(%dma_start3A_156 : memref<1000000x32xf32, #tpu.memory_space<hbm>>) target(%dma_start3A_148 : memref<128x32xf32, #tpu.memory_space<vmem>>) offsets(%dma_start3A_153 : memref<128xi32, #tpu.memory_space<vmem>>) semaphore(%arg12 : memref<!tpu.dma_semaphore, #tpu.memory_space<semaphore_mem>>)
    %add3A_157 = arith.constant 96 : i32
    %add3A_158 = arith.addi %add3A_157, %add3A : i32
    %mul3A_159 = arith.constant 256 : i32
    %mul3A_160 = arith.muli %add3A_158, %mul3A_159 : i32
    %dma_start3A_161 = arith.constant 3 : i32
    %dma_start3A_162 = arith.constant 0 : i32
    %dma_start3A_163 = tpu.memref_slice %arg5[%dma_start3A_161, %dma_start3A_162] : memref<4x256xi32, #tpu.memory_space<vmem>> -> memref<1x256xi32, #tpu.memory_space<vmem>>
    %dma_start3A_164 = tpu.memref_squeeze %dma_start3A_163 : memref<1x256xi32, #tpu.memory_space<vmem>> -> memref<256xi32, #tpu.memory_space<vmem>>
    %dma_start3A_165 = tpu.memref_slice %arg3[%mul3A_160] : memref<819200xi32, #tpu.memory_space<hbm>> -> memref<256xi32, #tpu.memory_space<hbm>>
    %dma_start3A_166 = arith.constant 0 : i32
    %dma_start3A_167 = tpu.memref_slice %arg5[%dma_start3A_161, %dma_start3A_166] : memref<4x256xi32, #tpu.memory_space<vmem>> -> memref<1x256xi32, #tpu.memory_space<vmem>>
    %dma_start3A_168 = tpu.memref_squeeze %dma_start3A_167 : memref<1x256xi32, #tpu.memory_space<vmem>> -> memref<256xi32, #tpu.memory_space<vmem>>
    %dma_start3A_169 = tpu.memref_slice %arg3[%mul3A_160] : memref<819200xi32, #tpu.memory_space<hbm>> -> memref<256xi32, #tpu.memory_space<hbm>>
    tpu.enqueue_dma source(%dma_start3A_169 : memref<256xi32, #tpu.memory_space<hbm>>) target(%dma_start3A_168 : memref<256xi32, #tpu.memory_space<vmem>>) target_semaphore(%arg21 : memref<!tpu.dma_semaphore, #tpu.memory_space<semaphore_mem>>)
    %dma_wait3A_170 = arith.constant 0 : i32
    %dma_wait3A_171 = arith.constant 0 : i32
    %dma_wait3A_172 = tpu.memref_slice %arg2[%dma_wait3A_170, %dma_wait3A_171] : memref<1000000x32xf32, #tpu.memory_space<hbm>> -> memref<256x32xf32, #tpu.memory_space<hbm>>
    %dma_wait3A_173 = arith.constant 0 : i32
    %dma_wait3A_174 = arith.constant 0 : i32
    %dma_wait3A_175 = tpu.memref_slice %arg2[%dma_wait3A_173, %dma_wait3A_174] : memref<1000000x32xf32, #tpu.memory_space<hbm>> -> memref<256x32xf32, #tpu.memory_space<hbm>>
    tpu.wait_dma2 semaphore(%arg11 : memref<!tpu.dma_semaphore, #tpu.memory_space<semaphore_mem>>) src(%dma_wait3A_175 : memref<256x32xf32, #tpu.memory_space<hbm>>) dst(%arg7 : memref<256x32xf32, #tpu.memory_space<vmem>>)
    %add3A_176 = arith.constant 32 : i32
    %add3A_177 = arith.addi %add3A_176, %add3A : i32
    %mul3A_178 = arith.constant 256 : i32
    %mul3A_179 = arith.muli %add3A_177, %mul3A_178 : i32
    %dma_start3A_180 = arith.constant 0 : i32
    %dma_start3A_181 = tpu.memref_slice %arg4[%mul3A_179, %dma_start3A_180] : memref<819200x32xf32, #tpu.memory_space<hbm>> -> memref<256x32xf32, #tpu.memory_space<hbm>>
    %dma_start3A_182 = arith.constant 0 : i32
    %dma_start3A_183 = tpu.memref_slice %arg4[%mul3A_179, %dma_start3A_182] : memref<819200x32xf32, #tpu.memory_space<hbm>> -> memref<256x32xf32, #tpu.memory_space<hbm>>
    tpu.enqueue_dma source(%arg7 : memref<256x32xf32, #tpu.memory_space<vmem>>) target(%dma_start3A_183 : memref<256x32xf32, #tpu.memory_space<hbm>>) target_semaphore(%arg15 : memref<!tpu.dma_semaphore, #tpu.memory_space<semaphore_mem>>)
    %dma_wait3A_184 = arith.constant 3 : i32
    %dma_wait3A_185 = arith.constant 0 : i32
    %dma_wait3A_186 = tpu.memref_slice %arg5[%dma_wait3A_184, %dma_wait3A_185] : memref<4x256xi32, #tpu.memory_space<vmem>> -> memref<1x256xi32, #tpu.memory_space<vmem>>
    %dma_wait3A_187 = tpu.memref_squeeze %dma_wait3A_186 : memref<1x256xi32, #tpu.memory_space<vmem>> -> memref<256xi32, #tpu.memory_space<vmem>>
    %dma_wait3A_188 = arith.constant 0 : i32
    %dma_wait3A_189 = tpu.memref_slice %arg3[%dma_wait3A_188] : memref<819200xi32, #tpu.memory_space<hbm>> -> memref<256xi32, #tpu.memory_space<hbm>>
    %dma_wait3A_190 = arith.constant 0 : i32
    %dma_wait3A_191 = tpu.memref_slice %arg5[%dma_wait3A_184, %dma_wait3A_190] : memref<4x256xi32, #tpu.memory_space<vmem>> -> memref<1x256xi32, #tpu.memory_space<vmem>>
    %dma_wait3A_192 = tpu.memref_squeeze %dma_wait3A_191 : memref<1x256xi32, #tpu.memory_space<vmem>> -> memref<256xi32, #tpu.memory_space<vmem>>
    %dma_wait3A_193 = arith.constant 0 : i32
    %dma_wait3A_194 = tpu.memref_slice %arg3[%dma_wait3A_193] : memref<819200xi32, #tpu.memory_space<hbm>> -> memref<256xi32, #tpu.memory_space<hbm>>
    tpu.wait_dma2 semaphore(%arg21 : memref<!tpu.dma_semaphore, #tpu.memory_space<semaphore_mem>>) src(%dma_wait3A_194 : memref<256xi32, #tpu.memory_space<hbm>>) dst(%dma_wait3A_192 : memref<256xi32, #tpu.memory_space<vmem>>)
    %dma_start3A_195 = arith.constant 3 : i32
    %dma_start3A_196 = arith.constant 0 : i32
    %dma_start3A_197 = arith.constant 0 : i32
    %dma_start3A_198 = tpu.memref_slice %arg9[%dma_start3A_196, %dma_start3A_197] : memref<256x32xf32, #tpu.memory_space<vmem>> -> memref<128x32xf32, #tpu.memory_space<vmem>>
    %dma_start3A_199 = arith.constant 0 : i32
    %dma_start3A_200 = tpu.memref_slice %arg5[%dma_start3A_195, %dma_start3A_199] : memref<4x256xi32, #tpu.memory_space<vmem>> -> memref<1x256xi32, #tpu.memory_space<vmem>>
    %dma_start3A_201 = tpu.memref_squeeze %dma_start3A_200 : memref<1x256xi32, #tpu.memory_space<vmem>> -> memref<256xi32, #tpu.memory_space<vmem>>
    %dma_start3A_202 = arith.constant 0 : i32
    %dma_start3A_203 = tpu.memref_slice %dma_start3A_201[%dma_start3A_202] : memref<256xi32, #tpu.memory_space<vmem>> -> memref<128xi32, #tpu.memory_space<vmem>>
    %dma_start3A_204 = arith.constant 0 : i32
    %dma_start3A_205 = arith.constant 0 : i32
    %dma_start3A_206 = tpu.memref_slice %arg2[%dma_start3A_204, %dma_start3A_205] : memref<1000000x32xf32, #tpu.memory_space<hbm>> -> memref<1000000x32xf32, #tpu.memory_space<hbm>>
    tpu.enqueue_indirect_dma source(%dma_start3A_206 : memref<1000000x32xf32, #tpu.memory_space<hbm>>) target(%dma_start3A_198 : memref<128x32xf32, #tpu.memory_space<vmem>>) offsets(%dma_start3A_203 : memref<128xi32, #tpu.memory_space<vmem>>) semaphore(%arg13 : memref<!tpu.dma_semaphore, #tpu.memory_space<semaphore_mem>>)
    %dma_start3A_207 = arith.constant 3 : i32
    %dma_start3A_208 = arith.constant 128 : i32
    %dma_start3A_209 = arith.constant 0 : i32
    %dma_start3A_210 = tpu.memref_slice %arg9[%dma_start3A_208, %dma_start3A_209] : memref<256x32xf32, #tpu.memory_space<vmem>> -> memref<128x32xf32, #tpu.memory_space<vmem>>
    %dma_start3A_211 = arith.constant 0 : i32
    %dma_start3A_212 = tpu.memref_slice %arg5[%dma_start3A_207, %dma_start3A_211] : memref<4x256xi32, #tpu.memory_space<vmem>> -> memref<1x256xi32, #tpu.memory_space<vmem>>
    %dma_start3A_213 = tpu.memref_squeeze %dma_start3A_212 : memref<1x256xi32, #tpu.memory_space<vmem>> -> memref<256xi32, #tpu.memory_space<vmem>>
    %dma_start3A_214 = arith.constant 128 : i32
    %dma_start3A_215 = tpu.memref_slice %dma_start3A_213[%dma_start3A_214] : memref<256xi32, #tpu.memory_space<vmem>> -> memref<128xi32, #tpu.memory_space<vmem>>
    %dma_start3A_216 = arith.constant 0 : i32
    %dma_start3A_217 = arith.constant 0 : i32
    %dma_start3A_218 = tpu.memref_slice %arg2[%dma_start3A_216, %dma_start3A_217] : memref<1000000x32xf32, #tpu.memory_space<hbm>> -> memref<1000000x32xf32, #tpu.memory_space<hbm>>
    tpu.enqueue_indirect_dma source(%dma_start3A_218 : memref<1000000x32xf32, #tpu.memory_space<hbm>>) target(%dma_start3A_210 : memref<128x32xf32, #tpu.memory_space<vmem>>) offsets(%dma_start3A_215 : memref<128xi32, #tpu.memory_space<vmem>>) semaphore(%arg13 : memref<!tpu.dma_semaphore, #tpu.memory_space<semaphore_mem>>)
    %add3A_219 = arith.constant 128 : i32
    %add3A_220 = arith.addi %add3A_219, %add3A : i32
    %mul3A_221 = arith.constant 256 : i32
    %mul3A_222 = arith.muli %add3A_220, %mul3A_221 : i32
    %dma_start3A_223 = arith.constant 0 : i32
    %dma_start3A_224 = arith.constant 0 : i32
    %dma_start3A_225 = tpu.memref_slice %arg5[%dma_start3A_223, %dma_start3A_224] : memref<4x256xi32, #tpu.memory_space<vmem>> -> memref<1x256xi32, #tpu.memory_space<vmem>>
    %dma_start3A_226 = tpu.memref_squeeze %dma_start3A_225 : memref<1x256xi32, #tpu.memory_space<vmem>> -> memref<256xi32, #tpu.memory_space<vmem>>
    %dma_start3A_227 = tpu.memref_slice %arg3[%mul3A_222] : memref<819200xi32, #tpu.memory_space<hbm>> -> memref<256xi32, #tpu.memory_space<hbm>>
    %dma_start3A_228 = arith.constant 0 : i32
    %dma_start3A_229 = tpu.memref_slice %arg5[%dma_start3A_223, %dma_start3A_228] : memref<4x256xi32, #tpu.memory_space<vmem>> -> memref<1x256xi32, #tpu.memory_space<vmem>>
    %dma_start3A_230 = tpu.memref_squeeze %dma_start3A_229 : memref<1x256xi32, #tpu.memory_space<vmem>> -> memref<256xi32, #tpu.memory_space<vmem>>
    %dma_start3A_231 = tpu.memref_slice %arg3[%mul3A_222] : memref<819200xi32, #tpu.memory_space<hbm>> -> memref<256xi32, #tpu.memory_space<hbm>>
    tpu.enqueue_dma source(%dma_start3A_231 : memref<256xi32, #tpu.memory_space<hbm>>) target(%dma_start3A_230 : memref<256xi32, #tpu.memory_space<vmem>>) target_semaphore(%arg18 : memref<!tpu.dma_semaphore, #tpu.memory_space<semaphore_mem>>)
    %dma_wait3A_232 = arith.constant 0 : i32
    %dma_wait3A_233 = arith.constant 0 : i32
    %dma_wait3A_234 = tpu.memref_slice %arg2[%dma_wait3A_232, %dma_wait3A_233] : memref<1000000x32xf32, #tpu.memory_space<hbm>> -> memref<256x32xf32, #tpu.memory_space<hbm>>
    %dma_wait3A_235 = arith.constant 0 : i32
    %dma_wait3A_236 = arith.constant 0 : i32
    %dma_wait3A_237 = tpu.memref_slice %arg2[%dma_wait3A_235, %dma_wait3A_236] : memref<1000000x32xf32, #tpu.memory_space<hbm>> -> memref<256x32xf32, #tpu.memory_space<hbm>>
    tpu.wait_dma2 semaphore(%arg12 : memref<!tpu.dma_semaphore, #tpu.memory_space<semaphore_mem>>) src(%dma_wait3A_237 : memref<256x32xf32, #tpu.memory_space<hbm>>) dst(%arg8 : memref<256x32xf32, #tpu.memory_space<vmem>>)
    %add3A_238 = arith.constant 64 : i32
    %add3A_239 = arith.addi %add3A_238, %add3A : i32
    %mul3A_240 = arith.constant 256 : i32
    %mul3A_241 = arith.muli %add3A_239, %mul3A_240 : i32
    %dma_start3A_242 = arith.constant 0 : i32
    %dma_start3A_243 = tpu.memref_slice %arg4[%mul3A_241, %dma_start3A_242] : memref<819200x32xf32, #tpu.memory_space<hbm>> -> memref<256x32xf32, #tpu.memory_space<hbm>>
    %dma_start3A_244 = arith.constant 0 : i32
    %dma_start3A_245 = tpu.memref_slice %arg4[%mul3A_241, %dma_start3A_244] : memref<819200x32xf32, #tpu.memory_space<hbm>> -> memref<256x32xf32, #tpu.memory_space<hbm>>
    tpu.enqueue_dma source(%arg8 : memref<256x32xf32, #tpu.memory_space<vmem>>) target(%dma_start3A_245 : memref<256x32xf32, #tpu.memory_space<hbm>>) target_semaphore(%arg16 : memref<!tpu.dma_semaphore, #tpu.memory_space<semaphore_mem>>)
    %scan3A = arith.constant 0 : i32
    %scan3A_246 = arith.constant 1 : i32
    %scan3A_247 = arith.constant 23 : i32
    %scan3A_248 = arith.addi %scan3A_246, %scan3A_247 : i32
    %scan3A_249 = arith.constant 1 : i32
    scf.for %scan3A_548 = %scan3A_246 to %scan3A_248 step %scan3A_249  : i32 {
      %mul3A_549 = arith.constant 4 : i32
      %mul3A_550 = arith.muli %scan3A_548, %mul3A_549 : i32
      %add3A_551 = arith.constant 0 : i32
      %add3A_552 = arith.addi %mul3A_550, %add3A_551 : i32
      %dma_wait3A_553 = arith.constant 0 : i32
      %dma_wait3A_554 = arith.constant 0 : i32
      %dma_wait3A_555 = tpu.memref_slice %arg4[%dma_wait3A_553, %dma_wait3A_554] : memref<819200x32xf32, #tpu.memory_space<hbm>> -> memref<256x32xf32, #tpu.memory_space<hbm>>
      %dma_wait3A_556 = arith.constant 0 : i32
      %dma_wait3A_557 = arith.constant 0 : i32
      %dma_wait3A_558 = tpu.memref_slice %arg4[%dma_wait3A_556, %dma_wait3A_557] : memref<819200x32xf32, #tpu.memory_space<hbm>> -> memref<256x32xf32, #tpu.memory_space<hbm>>
      tpu.wait_dma2 semaphore(%arg14 : memref<!tpu.dma_semaphore, #tpu.memory_space<semaphore_mem>>) src(%arg6 : memref<256x32xf32, #tpu.memory_space<vmem>>) dst(%dma_wait3A_558 : memref<256x32xf32, #tpu.memory_space<hbm>>)
      %dma_wait3A_559 = arith.constant 0 : i32
      %dma_wait3A_560 = arith.constant 0 : i32
      %dma_wait3A_561 = tpu.memref_slice %arg5[%dma_wait3A_559, %dma_wait3A_560] : memref<4x256xi32, #tpu.memory_space<vmem>> -> memref<1x256xi32, #tpu.memory_space<vmem>>
      %dma_wait3A_562 = tpu.memref_squeeze %dma_wait3A_561 : memref<1x256xi32, #tpu.memory_space<vmem>> -> memref<256xi32, #tpu.memory_space<vmem>>
      %dma_wait3A_563 = arith.constant 0 : i32
      %dma_wait3A_564 = tpu.memref_slice %arg3[%dma_wait3A_563] : memref<819200xi32, #tpu.memory_space<hbm>> -> memref<256xi32, #tpu.memory_space<hbm>>
      %dma_wait3A_565 = arith.constant 0 : i32
      %dma_wait3A_566 = tpu.memref_slice %arg5[%dma_wait3A_559, %dma_wait3A_565] : memref<4x256xi32, #tpu.memory_space<vmem>> -> memref<1x256xi32, #tpu.memory_space<vmem>>
      %dma_wait3A_567 = tpu.memref_squeeze %dma_wait3A_566 : memref<1x256xi32, #tpu.memory_space<vmem>> -> memref<256xi32, #tpu.memory_space<vmem>>
      %dma_wait3A_568 = arith.constant 0 : i32
      %dma_wait3A_569 = tpu.memref_slice %arg3[%dma_wait3A_568] : memref<819200xi32, #tpu.memory_space<hbm>> -> memref<256xi32, #tpu.memory_space<hbm>>
      tpu.wait_dma2 semaphore(%arg18 : memref<!tpu.dma_semaphore, #tpu.memory_space<semaphore_mem>>) src(%dma_wait3A_569 : memref<256xi32, #tpu.memory_space<hbm>>) dst(%dma_wait3A_567 : memref<256xi32, #tpu.memory_space<vmem>>)
      %dma_start3A_570 = arith.constant 0 : i32
      %dma_start3A_571 = arith.constant 0 : i32
      %dma_start3A_572 = arith.constant 0 : i32
      %dma_start3A_573 = tpu.memref_slice %arg6[%dma_start3A_571, %dma_start3A_572] : memref<256x32xf32, #tpu.memory_space<vmem>> -> memref<128x32xf32, #tpu.memory_space<vmem>>
      %dma_start3A_574 = arith.constant 0 : i32
      %dma_start3A_575 = tpu.memref_slice %arg5[%dma_start3A_570, %dma_start3A_574] : memref<4x256xi32, #tpu.memory_space<vmem>> -> memref<1x256xi32, #tpu.memory_space<vmem>>
      %dma_start3A_576 = tpu.memref_squeeze %dma_start3A_575 : memref<1x256xi32, #tpu.memory_space<vmem>> -> memref<256xi32, #tpu.memory_space<vmem>>
      %dma_start3A_577 = arith.constant 0 : i32
      %dma_start3A_578 = tpu.memref_slice %dma_start3A_576[%dma_start3A_577] : memref<256xi32, #tpu.memory_space<vmem>> -> memref<128xi32, #tpu.memory_space<vmem>>
      %dma_start3A_579 = arith.constant 0 : i32
      %dma_start3A_580 = arith.constant 0 : i32
      %dma_start3A_581 = tpu.memref_slice %arg2[%dma_start3A_579, %dma_start3A_580] : memref<1000000x32xf32, #tpu.memory_space<hbm>> -> memref<1000000x32xf32, #tpu.memory_space<hbm>>
      tpu.enqueue_indirect_dma source(%dma_start3A_581 : memref<1000000x32xf32, #tpu.memory_space<hbm>>) target(%dma_start3A_573 : memref<128x32xf32, #tpu.memory_space<vmem>>) offsets(%dma_start3A_578 : memref<128xi32, #tpu.memory_space<vmem>>) semaphore(%arg10 : memref<!tpu.dma_semaphore, #tpu.memory_space<semaphore_mem>>)
      %dma_start3A_582 = arith.constant 0 : i32
      %dma_start3A_583 = arith.constant 128 : i32
      %dma_start3A_584 = arith.constant 0 : i32
      %dma_start3A_585 = tpu.memref_slice %arg6[%dma_start3A_583, %dma_start3A_584] : memref<256x32xf32, #tpu.memory_space<vmem>> -> memref<128x32xf32, #tpu.memory_space<vmem>>
      %dma_start3A_586 = arith.constant 0 : i32
      %dma_start3A_587 = tpu.memref_slice %arg5[%dma_start3A_582, %dma_start3A_586] : memref<4x256xi32, #tpu.memory_space<vmem>> -> memref<1x256xi32, #tpu.memory_space<vmem>>
      %dma_start3A_588 = tpu.memref_squeeze %dma_start3A_587 : memref<1x256xi32, #tpu.memory_space<vmem>> -> memref<256xi32, #tpu.memory_space<vmem>>
      %dma_start3A_589 = arith.constant 128 : i32
      %dma_start3A_590 = tpu.memref_slice %dma_start3A_588[%dma_start3A_589] : memref<256xi32, #tpu.memory_space<vmem>> -> memref<128xi32, #tpu.memory_space<vmem>>
      %dma_start3A_591 = arith.constant 0 : i32
      %dma_start3A_592 = arith.constant 0 : i32
      %dma_start3A_593 = tpu.memref_slice %arg2[%dma_start3A_591, %dma_start3A_592] : memref<1000000x32xf32, #tpu.memory_space<hbm>> -> memref<1000000x32xf32, #tpu.memory_space<hbm>>
      tpu.enqueue_indirect_dma source(%dma_start3A_593 : memref<1000000x32xf32, #tpu.memory_space<hbm>>) target(%dma_start3A_585 : memref<128x32xf32, #tpu.memory_space<vmem>>) offsets(%dma_start3A_590 : memref<128xi32, #tpu.memory_space<vmem>>) semaphore(%arg10 : memref<!tpu.dma_semaphore, #tpu.memory_space<semaphore_mem>>)
      %add3A_594 = arith.constant 1 : i32
      %add3A_595 = arith.addi %add3A_552, %add3A_594 : i32
      %mul3A_596 = arith.constant 32 : i32
      %mul3A_597 = arith.muli %add3A_595, %mul3A_596 : i32
      %add3A_598 = arith.addi %mul3A_597, %add3A : i32
      %mul3A_599 = arith.constant 256 : i32
      %mul3A_600 = arith.muli %add3A_598, %mul3A_599 : i32
      %dma_start3A_601 = arith.constant 1 : i32
      %dma_start3A_602 = arith.constant 0 : i32
      %dma_start3A_603 = tpu.memref_slice %arg5[%dma_start3A_601, %dma_start3A_602] : memref<4x256xi32, #tpu.memory_space<vmem>> -> memref<1x256xi32, #tpu.memory_space<vmem>>
      %dma_start3A_604 = tpu.memref_squeeze %dma_start3A_603 : memref<1x256xi32, #tpu.memory_space<vmem>> -> memref<256xi32, #tpu.memory_space<vmem>>
      %dma_start3A_605 = tpu.memref_slice %arg3[%mul3A_600] : memref<819200xi32, #tpu.memory_space<hbm>> -> memref<256xi32, #tpu.memory_space<hbm>>
      %dma_start3A_606 = arith.constant 0 : i32
      %dma_start3A_607 = tpu.memref_slice %arg5[%dma_start3A_601, %dma_start3A_606] : memref<4x256xi32, #tpu.memory_space<vmem>> -> memref<1x256xi32, #tpu.memory_space<vmem>>
      %dma_start3A_608 = tpu.memref_squeeze %dma_start3A_607 : memref<1x256xi32, #tpu.memory_space<vmem>> -> memref<256xi32, #tpu.memory_space<vmem>>
      %dma_start3A_609 = tpu.memref_slice %arg3[%mul3A_600] : memref<819200xi32, #tpu.memory_space<hbm>> -> memref<256xi32, #tpu.memory_space<hbm>>
      tpu.enqueue_dma source(%dma_start3A_609 : memref<256xi32, #tpu.memory_space<hbm>>) target(%dma_start3A_608 : memref<256xi32, #tpu.memory_space<vmem>>) target_semaphore(%arg19 : memref<!tpu.dma_semaphore, #tpu.memory_space<semaphore_mem>>)
      %dma_wait3A_610 = arith.constant 0 : i32
      %dma_wait3A_611 = arith.constant 0 : i32
      %dma_wait3A_612 = tpu.memref_slice %arg2[%dma_wait3A_610, %dma_wait3A_611] : memref<1000000x32xf32, #tpu.memory_space<hbm>> -> memref<256x32xf32, #tpu.memory_space<hbm>>
      %dma_wait3A_613 = arith.constant 0 : i32
      %dma_wait3A_614 = arith.constant 0 : i32
      %dma_wait3A_615 = tpu.memref_slice %arg2[%dma_wait3A_613, %dma_wait3A_614] : memref<1000000x32xf32, #tpu.memory_space<hbm>> -> memref<256x32xf32, #tpu.memory_space<hbm>>
      tpu.wait_dma2 semaphore(%arg13 : memref<!tpu.dma_semaphore, #tpu.memory_space<semaphore_mem>>) src(%dma_wait3A_615 : memref<256x32xf32, #tpu.memory_space<hbm>>) dst(%arg9 : memref<256x32xf32, #tpu.memory_space<vmem>>)
      %sub3A = arith.constant 1 : i32
      %sub3A_616 = arith.subi %add3A_552, %sub3A : i32
      %mul3A_617 = arith.constant 32 : i32
      %mul3A_618 = arith.muli %sub3A_616, %mul3A_617 : i32
      %add3A_619 = arith.addi %mul3A_618, %add3A : i32
      %mul3A_620 = arith.constant 256 : i32
      %mul3A_621 = arith.muli %add3A_619, %mul3A_620 : i32
      %dma_start3A_622 = arith.constant 0 : i32
      %dma_start3A_623 = tpu.memref_slice %arg4[%mul3A_621, %dma_start3A_622] : memref<819200x32xf32, #tpu.memory_space<hbm>> -> memref<256x32xf32, #tpu.memory_space<hbm>>
      %dma_start3A_624 = arith.constant 0 : i32
      %dma_start3A_625 = tpu.memref_slice %arg4[%mul3A_621, %dma_start3A_624] : memref<819200x32xf32, #tpu.memory_space<hbm>> -> memref<256x32xf32, #tpu.memory_space<hbm>>
      tpu.enqueue_dma source(%arg9 : memref<256x32xf32, #tpu.memory_space<vmem>>) target(%dma_start3A_625 : memref<256x32xf32, #tpu.memory_space<hbm>>) target_semaphore(%arg17 : memref<!tpu.dma_semaphore, #tpu.memory_space<semaphore_mem>>)
      %mul3A_626 = arith.constant 4 : i32
      %mul3A_627 = arith.muli %scan3A_548, %mul3A_626 : i32
      %add3A_628 = arith.constant 1 : i32
      %add3A_629 = arith.addi %mul3A_627, %add3A_628 : i32
      %dma_wait3A_630 = arith.constant 0 : i32
      %dma_wait3A_631 = arith.constant 0 : i32
      %dma_wait3A_632 = tpu.memref_slice %arg4[%dma_wait3A_630, %dma_wait3A_631] : memref<819200x32xf32, #tpu.memory_space<hbm>> -> memref<256x32xf32, #tpu.memory_space<hbm>>
      %dma_wait3A_633 = arith.constant 0 : i32
      %dma_wait3A_634 = arith.constant 0 : i32
      %dma_wait3A_635 = tpu.memref_slice %arg4[%dma_wait3A_633, %dma_wait3A_634] : memref<819200x32xf32, #tpu.memory_space<hbm>> -> memref<256x32xf32, #tpu.memory_space<hbm>>
      tpu.wait_dma2 semaphore(%arg15 : memref<!tpu.dma_semaphore, #tpu.memory_space<semaphore_mem>>) src(%arg7 : memref<256x32xf32, #tpu.memory_space<vmem>>) dst(%dma_wait3A_635 : memref<256x32xf32, #tpu.memory_space<hbm>>)
      %dma_wait3A_636 = arith.constant 1 : i32
      %dma_wait3A_637 = arith.constant 0 : i32
      %dma_wait3A_638 = tpu.memref_slice %arg5[%dma_wait3A_636, %dma_wait3A_637] : memref<4x256xi32, #tpu.memory_space<vmem>> -> memref<1x256xi32, #tpu.memory_space<vmem>>
      %dma_wait3A_639 = tpu.memref_squeeze %dma_wait3A_638 : memref<1x256xi32, #tpu.memory_space<vmem>> -> memref<256xi32, #tpu.memory_space<vmem>>
      %dma_wait3A_640 = arith.constant 0 : i32
      %dma_wait3A_641 = tpu.memref_slice %arg3[%dma_wait3A_640] : memref<819200xi32, #tpu.memory_space<hbm>> -> memref<256xi32, #tpu.memory_space<hbm>>
      %dma_wait3A_642 = arith.constant 0 : i32
      %dma_wait3A_643 = tpu.memref_slice %arg5[%dma_wait3A_636, %dma_wait3A_642] : memref<4x256xi32, #tpu.memory_space<vmem>> -> memref<1x256xi32, #tpu.memory_space<vmem>>
      %dma_wait3A_644 = tpu.memref_squeeze %dma_wait3A_643 : memref<1x256xi32, #tpu.memory_space<vmem>> -> memref<256xi32, #tpu.memory_space<vmem>>
      %dma_wait3A_645 = arith.constant 0 : i32
      %dma_wait3A_646 = tpu.memref_slice %arg3[%dma_wait3A_645] : memref<819200xi32, #tpu.memory_space<hbm>> -> memref<256xi32, #tpu.memory_space<hbm>>
      tpu.wait_dma2 semaphore(%arg19 : memref<!tpu.dma_semaphore, #tpu.memory_space<semaphore_mem>>) src(%dma_wait3A_646 : memref<256xi32, #tpu.memory_space<hbm>>) dst(%dma_wait3A_644 : memref<256xi32, #tpu.memory_space<vmem>>)
      %dma_start3A_647 = arith.constant 1 : i32
      %dma_start3A_648 = arith.constant 0 : i32
      %dma_start3A_649 = arith.constant 0 : i32
      %dma_start3A_650 = tpu.memref_slice %arg7[%dma_start3A_648, %dma_start3A_649] : memref<256x32xf32, #tpu.memory_space<vmem>> -> memref<128x32xf32, #tpu.memory_space<vmem>>
      %dma_start3A_651 = arith.constant 0 : i32
      %dma_start3A_652 = tpu.memref_slice %arg5[%dma_start3A_647, %dma_start3A_651] : memref<4x256xi32, #tpu.memory_space<vmem>> -> memref<1x256xi32, #tpu.memory_space<vmem>>
      %dma_start3A_653 = tpu.memref_squeeze %dma_start3A_652 : memref<1x256xi32, #tpu.memory_space<vmem>> -> memref<256xi32, #tpu.memory_space<vmem>>
      %dma_start3A_654 = arith.constant 0 : i32
      %dma_start3A_655 = tpu.memref_slice %dma_start3A_653[%dma_start3A_654] : memref<256xi32, #tpu.memory_space<vmem>> -> memref<128xi32, #tpu.memory_space<vmem>>
      %dma_start3A_656 = arith.constant 0 : i32
      %dma_start3A_657 = arith.constant 0 : i32
      %dma_start3A_658 = tpu.memref_slice %arg2[%dma_start3A_656, %dma_start3A_657] : memref<1000000x32xf32, #tpu.memory_space<hbm>> -> memref<1000000x32xf32, #tpu.memory_space<hbm>>
      tpu.enqueue_indirect_dma source(%dma_start3A_658 : memref<1000000x32xf32, #tpu.memory_space<hbm>>) target(%dma_start3A_650 : memref<128x32xf32, #tpu.memory_space<vmem>>) offsets(%dma_start3A_655 : memref<128xi32, #tpu.memory_space<vmem>>) semaphore(%arg11 : memref<!tpu.dma_semaphore, #tpu.memory_space<semaphore_mem>>)
      %dma_start3A_659 = arith.constant 1 : i32
      %dma_start3A_660 = arith.constant 128 : i32
      %dma_start3A_661 = arith.constant 0 : i32
      %dma_start3A_662 = tpu.memref_slice %arg7[%dma_start3A_660, %dma_start3A_661] : memref<256x32xf32, #tpu.memory_space<vmem>> -> memref<128x32xf32, #tpu.memory_space<vmem>>
      %dma_start3A_663 = arith.constant 0 : i32
      %dma_start3A_664 = tpu.memref_slice %arg5[%dma_start3A_659, %dma_start3A_663] : memref<4x256xi32, #tpu.memory_space<vmem>> -> memref<1x256xi32, #tpu.memory_space<vmem>>
      %dma_start3A_665 = tpu.memref_squeeze %dma_start3A_664 : memref<1x256xi32, #tpu.memory_space<vmem>> -> memref<256xi32, #tpu.memory_space<vmem>>
      %dma_start3A_666 = arith.constant 128 : i32
      %dma_start3A_667 = tpu.memref_slice %dma_start3A_665[%dma_start3A_666] : memref<256xi32, #tpu.memory_space<vmem>> -> memref<128xi32, #tpu.memory_space<vmem>>
      %dma_start3A_668 = arith.constant 0 : i32
      %dma_start3A_669 = arith.constant 0 : i32
      %dma_start3A_670 = tpu.memref_slice %arg2[%dma_start3A_668, %dma_start3A_669] : memref<1000000x32xf32, #tpu.memory_space<hbm>> -> memref<1000000x32xf32, #tpu.memory_space<hbm>>
      tpu.enqueue_indirect_dma source(%dma_start3A_670 : memref<1000000x32xf32, #tpu.memory_space<hbm>>) target(%dma_start3A_662 : memref<128x32xf32, #tpu.memory_space<vmem>>) offsets(%dma_start3A_667 : memref<128xi32, #tpu.memory_space<vmem>>) semaphore(%arg11 : memref<!tpu.dma_semaphore, #tpu.memory_space<semaphore_mem>>)
      %add3A_671 = arith.constant 1 : i32
      %add3A_672 = arith.addi %add3A_629, %add3A_671 : i32
      %mul3A_673 = arith.constant 32 : i32
      %mul3A_674 = arith.muli %add3A_672, %mul3A_673 : i32
      %add3A_675 = arith.addi %mul3A_674, %add3A : i32
      %mul3A_676 = arith.constant 256 : i32
      %mul3A_677 = arith.muli %add3A_675, %mul3A_676 : i32
      %dma_start3A_678 = arith.constant 2 : i32
      %dma_start3A_679 = arith.constant 0 : i32
      %dma_start3A_680 = tpu.memref_slice %arg5[%dma_start3A_678, %dma_start3A_679] : memref<4x256xi32, #tpu.memory_space<vmem>> -> memref<1x256xi32, #tpu.memory_space<vmem>>
      %dma_start3A_681 = tpu.memref_squeeze %dma_start3A_680 : memref<1x256xi32, #tpu.memory_space<vmem>> -> memref<256xi32, #tpu.memory_space<vmem>>
      %dma_start3A_682 = tpu.memref_slice %arg3[%mul3A_677] : memref<819200xi32, #tpu.memory_space<hbm>> -> memref<256xi32, #tpu.memory_space<hbm>>
      %dma_start3A_683 = arith.constant 0 : i32
      %dma_start3A_684 = tpu.memref_slice %arg5[%dma_start3A_678, %dma_start3A_683] : memref<4x256xi32, #tpu.memory_space<vmem>> -> memref<1x256xi32, #tpu.memory_space<vmem>>
      %dma_start3A_685 = tpu.memref_squeeze %dma_start3A_684 : memref<1x256xi32, #tpu.memory_space<vmem>> -> memref<256xi32, #tpu.memory_space<vmem>>
      %dma_start3A_686 = tpu.memref_slice %arg3[%mul3A_677] : memref<819200xi32, #tpu.memory_space<hbm>> -> memref<256xi32, #tpu.memory_space<hbm>>
      tpu.enqueue_dma source(%dma_start3A_686 : memref<256xi32, #tpu.memory_space<hbm>>) target(%dma_start3A_685 : memref<256xi32, #tpu.memory_space<vmem>>) target_semaphore(%arg20 : memref<!tpu.dma_semaphore, #tpu.memory_space<semaphore_mem>>)
      %dma_wait3A_687 = arith.constant 0 : i32
      %dma_wait3A_688 = arith.constant 0 : i32
      %dma_wait3A_689 = tpu.memref_slice %arg2[%dma_wait3A_687, %dma_wait3A_688] : memref<1000000x32xf32, #tpu.memory_space<hbm>> -> memref<256x32xf32, #tpu.memory_space<hbm>>
      %dma_wait3A_690 = arith.constant 0 : i32
      %dma_wait3A_691 = arith.constant 0 : i32
      %dma_wait3A_692 = tpu.memref_slice %arg2[%dma_wait3A_690, %dma_wait3A_691] : memref<1000000x32xf32, #tpu.memory_space<hbm>> -> memref<256x32xf32, #tpu.memory_space<hbm>>
      tpu.wait_dma2 semaphore(%arg10 : memref<!tpu.dma_semaphore, #tpu.memory_space<semaphore_mem>>) src(%dma_wait3A_692 : memref<256x32xf32, #tpu.memory_space<hbm>>) dst(%arg6 : memref<256x32xf32, #tpu.memory_space<vmem>>)
      %sub3A_693 = arith.constant 1 : i32
      %sub3A_694 = arith.subi %add3A_629, %sub3A_693 : i32
      %mul3A_695 = arith.constant 32 : i32
      %mul3A_696 = arith.muli %sub3A_694, %mul3A_695 : i32
      %add3A_697 = arith.addi %mul3A_696, %add3A : i32
      %mul3A_698 = arith.constant 256 : i32
      %mul3A_699 = arith.muli %add3A_697, %mul3A_698 : i32
      %dma_start3A_700 = arith.constant 0 : i32
      %dma_start3A_701 = tpu.memref_slice %arg4[%mul3A_699, %dma_start3A_700] : memref<819200x32xf32, #tpu.memory_space<hbm>> -> memref<256x32xf32, #tpu.memory_space<hbm>>
      %dma_start3A_702 = arith.constant 0 : i32
      %dma_start3A_703 = tpu.memref_slice %arg4[%mul3A_699, %dma_start3A_702] : memref<819200x32xf32, #tpu.memory_space<hbm>> -> memref<256x32xf32, #tpu.memory_space<hbm>>
      tpu.enqueue_dma source(%arg6 : memref<256x32xf32, #tpu.memory_space<vmem>>) target(%dma_start3A_703 : memref<256x32xf32, #tpu.memory_space<hbm>>) target_semaphore(%arg14 : memref<!tpu.dma_semaphore, #tpu.memory_space<semaphore_mem>>)
      %mul3A_704 = arith.constant 4 : i32
      %mul3A_705 = arith.muli %scan3A_548, %mul3A_704 : i32
      %add3A_706 = arith.constant 2 : i32
      %add3A_707 = arith.addi %mul3A_705, %add3A_706 : i32
      %dma_wait3A_708 = arith.constant 0 : i32
      %dma_wait3A_709 = arith.constant 0 : i32
      %dma_wait3A_710 = tpu.memref_slice %arg4[%dma_wait3A_708, %dma_wait3A_709] : memref<819200x32xf32, #tpu.memory_space<hbm>> -> memref<256x32xf32, #tpu.memory_space<hbm>>
      %dma_wait3A_711 = arith.constant 0 : i32
      %dma_wait3A_712 = arith.constant 0 : i32
      %dma_wait3A_713 = tpu.memref_slice %arg4[%dma_wait3A_711, %dma_wait3A_712] : memref<819200x32xf32, #tpu.memory_space<hbm>> -> memref<256x32xf32, #tpu.memory_space<hbm>>
      tpu.wait_dma2 semaphore(%arg16 : memref<!tpu.dma_semaphore, #tpu.memory_space<semaphore_mem>>) src(%arg8 : memref<256x32xf32, #tpu.memory_space<vmem>>) dst(%dma_wait3A_713 : memref<256x32xf32, #tpu.memory_space<hbm>>)
      %dma_wait3A_714 = arith.constant 2 : i32
      %dma_wait3A_715 = arith.constant 0 : i32
      %dma_wait3A_716 = tpu.memref_slice %arg5[%dma_wait3A_714, %dma_wait3A_715] : memref<4x256xi32, #tpu.memory_space<vmem>> -> memref<1x256xi32, #tpu.memory_space<vmem>>
      %dma_wait3A_717 = tpu.memref_squeeze %dma_wait3A_716 : memref<1x256xi32, #tpu.memory_space<vmem>> -> memref<256xi32, #tpu.memory_space<vmem>>
      %dma_wait3A_718 = arith.constant 0 : i32
      %dma_wait3A_719 = tpu.memref_slice %arg3[%dma_wait3A_718] : memref<819200xi32, #tpu.memory_space<hbm>> -> memref<256xi32, #tpu.memory_space<hbm>>
      %dma_wait3A_720 = arith.constant 0 : i32
      %dma_wait3A_721 = tpu.memref_slice %arg5[%dma_wait3A_714, %dma_wait3A_720] : memref<4x256xi32, #tpu.memory_space<vmem>> -> memref<1x256xi32, #tpu.memory_space<vmem>>
      %dma_wait3A_722 = tpu.memref_squeeze %dma_wait3A_721 : memref<1x256xi32, #tpu.memory_space<vmem>> -> memref<256xi32, #tpu.memory_space<vmem>>
      %dma_wait3A_723 = arith.constant 0 : i32
      %dma_wait3A_724 = tpu.memref_slice %arg3[%dma_wait3A_723] : memref<819200xi32, #tpu.memory_space<hbm>> -> memref<256xi32, #tpu.memory_space<hbm>>
      tpu.wait_dma2 semaphore(%arg20 : memref<!tpu.dma_semaphore, #tpu.memory_space<semaphore_mem>>) src(%dma_wait3A_724 : memref<256xi32, #tpu.memory_space<hbm>>) dst(%dma_wait3A_722 : memref<256xi32, #tpu.memory_space<vmem>>)
      %dma_start3A_725 = arith.constant 2 : i32
      %dma_start3A_726 = arith.constant 0 : i32
      %dma_start3A_727 = arith.constant 0 : i32
      %dma_start3A_728 = tpu.memref_slice %arg8[%dma_start3A_726, %dma_start3A_727] : memref<256x32xf32, #tpu.memory_space<vmem>> -> memref<128x32xf32, #tpu.memory_space<vmem>>
      %dma_start3A_729 = arith.constant 0 : i32
      %dma_start3A_730 = tpu.memref_slice %arg5[%dma_start3A_725, %dma_start3A_729] : memref<4x256xi32, #tpu.memory_space<vmem>> -> memref<1x256xi32, #tpu.memory_space<vmem>>
      %dma_start3A_731 = tpu.memref_squeeze %dma_start3A_730 : memref<1x256xi32, #tpu.memory_space<vmem>> -> memref<256xi32, #tpu.memory_space<vmem>>
      %dma_start3A_732 = arith.constant 0 : i32
      %dma_start3A_733 = tpu.memref_slice %dma_start3A_731[%dma_start3A_732] : memref<256xi32, #tpu.memory_space<vmem>> -> memref<128xi32, #tpu.memory_space<vmem>>
      %dma_start3A_734 = arith.constant 0 : i32
      %dma_start3A_735 = arith.constant 0 : i32
      %dma_start3A_736 = tpu.memref_slice %arg2[%dma_start3A_734, %dma_start3A_735] : memref<1000000x32xf32, #tpu.memory_space<hbm>> -> memref<1000000x32xf32, #tpu.memory_space<hbm>>
      tpu.enqueue_indirect_dma source(%dma_start3A_736 : memref<1000000x32xf32, #tpu.memory_space<hbm>>) target(%dma_start3A_728 : memref<128x32xf32, #tpu.memory_space<vmem>>) offsets(%dma_start3A_733 : memref<128xi32, #tpu.memory_space<vmem>>) semaphore(%arg12 : memref<!tpu.dma_semaphore, #tpu.memory_space<semaphore_mem>>)
      %dma_start3A_737 = arith.constant 2 : i32
      %dma_start3A_738 = arith.constant 128 : i32
      %dma_start3A_739 = arith.constant 0 : i32
      %dma_start3A_740 = tpu.memref_slice %arg8[%dma_start3A_738, %dma_start3A_739] : memref<256x32xf32, #tpu.memory_space<vmem>> -> memref<128x32xf32, #tpu.memory_space<vmem>>
      %dma_start3A_741 = arith.constant 0 : i32
      %dma_start3A_742 = tpu.memref_slice %arg5[%dma_start3A_737, %dma_start3A_741] : memref<4x256xi32, #tpu.memory_space<vmem>> -> memref<1x256xi32, #tpu.memory_space<vmem>>
      %dma_start3A_743 = tpu.memref_squeeze %dma_start3A_742 : memref<1x256xi32, #tpu.memory_space<vmem>> -> memref<256xi32, #tpu.memory_space<vmem>>
      %dma_start3A_744 = arith.constant 128 : i32
      %dma_start3A_745 = tpu.memref_slice %dma_start3A_743[%dma_start3A_744] : memref<256xi32, #tpu.memory_space<vmem>> -> memref<128xi32, #tpu.memory_space<vmem>>
      %dma_start3A_746 = arith.constant 0 : i32
      %dma_start3A_747 = arith.constant 0 : i32
      %dma_start3A_748 = tpu.memref_slice %arg2[%dma_start3A_746, %dma_start3A_747] : memref<1000000x32xf32, #tpu.memory_space<hbm>> -> memref<1000000x32xf32, #tpu.memory_space<hbm>>
      tpu.enqueue_indirect_dma source(%dma_start3A_748 : memref<1000000x32xf32, #tpu.memory_space<hbm>>) target(%dma_start3A_740 : memref<128x32xf32, #tpu.memory_space<vmem>>) offsets(%dma_start3A_745 : memref<128xi32, #tpu.memory_space<vmem>>) semaphore(%arg12 : memref<!tpu.dma_semaphore, #tpu.memory_space<semaphore_mem>>)
      %add3A_749 = arith.constant 1 : i32
      %add3A_750 = arith.addi %add3A_707, %add3A_749 : i32
      %mul3A_751 = arith.constant 32 : i32
      %mul3A_752 = arith.muli %add3A_750, %mul3A_751 : i32
      %add3A_753 = arith.addi %mul3A_752, %add3A : i32
      %mul3A_754 = arith.constant 256 : i32
      %mul3A_755 = arith.muli %add3A_753, %mul3A_754 : i32
      %dma_start3A_756 = arith.constant 3 : i32
      %dma_start3A_757 = arith.constant 0 : i32
      %dma_start3A_758 = tpu.memref_slice %arg5[%dma_start3A_756, %dma_start3A_757] : memref<4x256xi32, #tpu.memory_space<vmem>> -> memref<1x256xi32, #tpu.memory_space<vmem>>
      %dma_start3A_759 = tpu.memref_squeeze %dma_start3A_758 : memref<1x256xi32, #tpu.memory_space<vmem>> -> memref<256xi32, #tpu.memory_space<vmem>>
      %dma_start3A_760 = tpu.memref_slice %arg3[%mul3A_755] : memref<819200xi32, #tpu.memory_space<hbm>> -> memref<256xi32, #tpu.memory_space<hbm>>
      %dma_start3A_761 = arith.constant 0 : i32
      %dma_start3A_762 = tpu.memref_slice %arg5[%dma_start3A_756, %dma_start3A_761] : memref<4x256xi32, #tpu.memory_space<vmem>> -> memref<1x256xi32, #tpu.memory_space<vmem>>
      %dma_start3A_763 = tpu.memref_squeeze %dma_start3A_762 : memref<1x256xi32, #tpu.memory_space<vmem>> -> memref<256xi32, #tpu.memory_space<vmem>>
      %dma_start3A_764 = tpu.memref_slice %arg3[%mul3A_755] : memref<819200xi32, #tpu.memory_space<hbm>> -> memref<256xi32, #tpu.memory_space<hbm>>
      tpu.enqueue_dma source(%dma_start3A_764 : memref<256xi32, #tpu.memory_space<hbm>>) target(%dma_start3A_763 : memref<256xi32, #tpu.memory_space<vmem>>) target_semaphore(%arg21 : memref<!tpu.dma_semaphore, #tpu.memory_space<semaphore_mem>>)
      %dma_wait3A_765 = arith.constant 0 : i32
      %dma_wait3A_766 = arith.constant 0 : i32
      %dma_wait3A_767 = tpu.memref_slice %arg2[%dma_wait3A_765, %dma_wait3A_766] : memref<1000000x32xf32, #tpu.memory_space<hbm>> -> memref<256x32xf32, #tpu.memory_space<hbm>>
      %dma_wait3A_768 = arith.constant 0 : i32
      %dma_wait3A_769 = arith.constant 0 : i32
      %dma_wait3A_770 = tpu.memref_slice %arg2[%dma_wait3A_768, %dma_wait3A_769] : memref<1000000x32xf32, #tpu.memory_space<hbm>> -> memref<256x32xf32, #tpu.memory_space<hbm>>
      tpu.wait_dma2 semaphore(%arg11 : memref<!tpu.dma_semaphore, #tpu.memory_space<semaphore_mem>>) src(%dma_wait3A_770 : memref<256x32xf32, #tpu.memory_space<hbm>>) dst(%arg7 : memref<256x32xf32, #tpu.memory_space<vmem>>)
      %sub3A_771 = arith.constant 1 : i32
      %sub3A_772 = arith.subi %add3A_707, %sub3A_771 : i32
      %mul3A_773 = arith.constant 32 : i32
      %mul3A_774 = arith.muli %sub3A_772, %mul3A_773 : i32
      %add3A_775 = arith.addi %mul3A_774, %add3A : i32
      %mul3A_776 = arith.constant 256 : i32
      %mul3A_777 = arith.muli %add3A_775, %mul3A_776 : i32
      %dma_start3A_778 = arith.constant 0 : i32
      %dma_start3A_779 = tpu.memref_slice %arg4[%mul3A_777, %dma_start3A_778] : memref<819200x32xf32, #tpu.memory_space<hbm>> -> memref<256x32xf32, #tpu.memory_space<hbm>>
      %dma_start3A_780 = arith.constant 0 : i32
      %dma_start3A_781 = tpu.memref_slice %arg4[%mul3A_777, %dma_start3A_780] : memref<819200x32xf32, #tpu.memory_space<hbm>> -> memref<256x32xf32, #tpu.memory_space<hbm>>
      tpu.enqueue_dma source(%arg7 : memref<256x32xf32, #tpu.memory_space<vmem>>) target(%dma_start3A_781 : memref<256x32xf32, #tpu.memory_space<hbm>>) target_semaphore(%arg15 : memref<!tpu.dma_semaphore, #tpu.memory_space<semaphore_mem>>)
      %mul3A_782 = arith.constant 4 : i32
      %mul3A_783 = arith.muli %scan3A_548, %mul3A_782 : i32
      %add3A_784 = arith.constant 3 : i32
      %add3A_785 = arith.addi %mul3A_783, %add3A_784 : i32
      %dma_wait3A_786 = arith.constant 0 : i32
      %dma_wait3A_787 = arith.constant 0 : i32
      %dma_wait3A_788 = tpu.memref_slice %arg4[%dma_wait3A_786, %dma_wait3A_787] : memref<819200x32xf32, #tpu.memory_space<hbm>> -> memref<256x32xf32, #tpu.memory_space<hbm>>
      %dma_wait3A_789 = arith.constant 0 : i32
      %dma_wait3A_790 = arith.constant 0 : i32
      %dma_wait3A_791 = tpu.memref_slice %arg4[%dma_wait3A_789, %dma_wait3A_790] : memref<819200x32xf32, #tpu.memory_space<hbm>> -> memref<256x32xf32, #tpu.memory_space<hbm>>
      tpu.wait_dma2 semaphore(%arg17 : memref<!tpu.dma_semaphore, #tpu.memory_space<semaphore_mem>>) src(%arg9 : memref<256x32xf32, #tpu.memory_space<vmem>>) dst(%dma_wait3A_791 : memref<256x32xf32, #tpu.memory_space<hbm>>)
      %dma_wait3A_792 = arith.constant 3 : i32
      %dma_wait3A_793 = arith.constant 0 : i32
      %dma_wait3A_794 = tpu.memref_slice %arg5[%dma_wait3A_792, %dma_wait3A_793] : memref<4x256xi32, #tpu.memory_space<vmem>> -> memref<1x256xi32, #tpu.memory_space<vmem>>
      %dma_wait3A_795 = tpu.memref_squeeze %dma_wait3A_794 : memref<1x256xi32, #tpu.memory_space<vmem>> -> memref<256xi32, #tpu.memory_space<vmem>>
      %dma_wait3A_796 = arith.constant 0 : i32
      %dma_wait3A_797 = tpu.memref_slice %arg3[%dma_wait3A_796] : memref<819200xi32, #tpu.memory_space<hbm>> -> memref<256xi32, #tpu.memory_space<hbm>>
      %dma_wait3A_798 = arith.constant 0 : i32
      %dma_wait3A_799 = tpu.memref_slice %arg5[%dma_wait3A_792, %dma_wait3A_798] : memref<4x256xi32, #tpu.memory_space<vmem>> -> memref<1x256xi32, #tpu.memory_space<vmem>>
      %dma_wait3A_800 = tpu.memref_squeeze %dma_wait3A_799 : memref<1x256xi32, #tpu.memory_space<vmem>> -> memref<256xi32, #tpu.memory_space<vmem>>
      %dma_wait3A_801 = arith.constant 0 : i32
      %dma_wait3A_802 = tpu.memref_slice %arg3[%dma_wait3A_801] : memref<819200xi32, #tpu.memory_space<hbm>> -> memref<256xi32, #tpu.memory_space<hbm>>
      tpu.wait_dma2 semaphore(%arg21 : memref<!tpu.dma_semaphore, #tpu.memory_space<semaphore_mem>>) src(%dma_wait3A_802 : memref<256xi32, #tpu.memory_space<hbm>>) dst(%dma_wait3A_800 : memref<256xi32, #tpu.memory_space<vmem>>)
      %dma_start3A_803 = arith.constant 3 : i32
      %dma_start3A_804 = arith.constant 0 : i32
      %dma_start3A_805 = arith.constant 0 : i32
      %dma_start3A_806 = tpu.memref_slice %arg9[%dma_start3A_804, %dma_start3A_805] : memref<256x32xf32, #tpu.memory_space<vmem>> -> memref<128x32xf32, #tpu.memory_space<vmem>>
      %dma_start3A_807 = arith.constant 0 : i32
      %dma_start3A_808 = tpu.memref_slice %arg5[%dma_start3A_803, %dma_start3A_807] : memref<4x256xi32, #tpu.memory_space<vmem>> -> memref<1x256xi32, #tpu.memory_space<vmem>>
      %dma_start3A_809 = tpu.memref_squeeze %dma_start3A_808 : memref<1x256xi32, #tpu.memory_space<vmem>> -> memref<256xi32, #tpu.memory_space<vmem>>
      %dma_start3A_810 = arith.constant 0 : i32
      %dma_start3A_811 = tpu.memref_slice %dma_start3A_809[%dma_start3A_810] : memref<256xi32, #tpu.memory_space<vmem>> -> memref<128xi32, #tpu.memory_space<vmem>>
      %dma_start3A_812 = arith.constant 0 : i32
      %dma_start3A_813 = arith.constant 0 : i32
      %dma_start3A_814 = tpu.memref_slice %arg2[%dma_start3A_812, %dma_start3A_813] : memref<1000000x32xf32, #tpu.memory_space<hbm>> -> memref<1000000x32xf32, #tpu.memory_space<hbm>>
      tpu.enqueue_indirect_dma source(%dma_start3A_814 : memref<1000000x32xf32, #tpu.memory_space<hbm>>) target(%dma_start3A_806 : memref<128x32xf32, #tpu.memory_space<vmem>>) offsets(%dma_start3A_811 : memref<128xi32, #tpu.memory_space<vmem>>) semaphore(%arg13 : memref<!tpu.dma_semaphore, #tpu.memory_space<semaphore_mem>>)
      %dma_start3A_815 = arith.constant 3 : i32
      %dma_start3A_816 = arith.constant 128 : i32
      %dma_start3A_817 = arith.constant 0 : i32
      %dma_start3A_818 = tpu.memref_slice %arg9[%dma_start3A_816, %dma_start3A_817] : memref<256x32xf32, #tpu.memory_space<vmem>> -> memref<128x32xf32, #tpu.memory_space<vmem>>
      %dma_start3A_819 = arith.constant 0 : i32
      %dma_start3A_820 = tpu.memref_slice %arg5[%dma_start3A_815, %dma_start3A_819] : memref<4x256xi32, #tpu.memory_space<vmem>> -> memref<1x256xi32, #tpu.memory_space<vmem>>
      %dma_start3A_821 = tpu.memref_squeeze %dma_start3A_820 : memref<1x256xi32, #tpu.memory_space<vmem>> -> memref<256xi32, #tpu.memory_space<vmem>>
      %dma_start3A_822 = arith.constant 128 : i32
      %dma_start3A_823 = tpu.memref_slice %dma_start3A_821[%dma_start3A_822] : memref<256xi32, #tpu.memory_space<vmem>> -> memref<128xi32, #tpu.memory_space<vmem>>
      %dma_start3A_824 = arith.constant 0 : i32
      %dma_start3A_825 = arith.constant 0 : i32
      %dma_start3A_826 = tpu.memref_slice %arg2[%dma_start3A_824, %dma_start3A_825] : memref<1000000x32xf32, #tpu.memory_space<hbm>> -> memref<1000000x32xf32, #tpu.memory_space<hbm>>
      tpu.enqueue_indirect_dma source(%dma_start3A_826 : memref<1000000x32xf32, #tpu.memory_space<hbm>>) target(%dma_start3A_818 : memref<128x32xf32, #tpu.memory_space<vmem>>) offsets(%dma_start3A_823 : memref<128xi32, #tpu.memory_space<vmem>>) semaphore(%arg13 : memref<!tpu.dma_semaphore, #tpu.memory_space<semaphore_mem>>)
      %add3A_827 = arith.constant 1 : i32
      %add3A_828 = arith.addi %add3A_785, %add3A_827 : i32
      %mul3A_829 = arith.constant 32 : i32
      %mul3A_830 = arith.muli %add3A_828, %mul3A_829 : i32
      %add3A_831 = arith.addi %mul3A_830, %add3A : i32
      %mul3A_832 = arith.constant 256 : i32
      %mul3A_833 = arith.muli %add3A_831, %mul3A_832 : i32
      %dma_start3A_834 = arith.constant 0 : i32
      %dma_start3A_835 = arith.constant 0 : i32
      %dma_start3A_836 = tpu.memref_slice %arg5[%dma_start3A_834, %dma_start3A_835] : memref<4x256xi32, #tpu.memory_space<vmem>> -> memref<1x256xi32, #tpu.memory_space<vmem>>
      %dma_start3A_837 = tpu.memref_squeeze %dma_start3A_836 : memref<1x256xi32, #tpu.memory_space<vmem>> -> memref<256xi32, #tpu.memory_space<vmem>>
      %dma_start3A_838 = tpu.memref_slice %arg3[%mul3A_833] : memref<819200xi32, #tpu.memory_space<hbm>> -> memref<256xi32, #tpu.memory_space<hbm>>
      %dma_start3A_839 = arith.constant 0 : i32
      %dma_start3A_840 = tpu.memref_slice %arg5[%dma_start3A_834, %dma_start3A_839] : memref<4x256xi32, #tpu.memory_space<vmem>> -> memref<1x256xi32, #tpu.memory_space<vmem>>
      %dma_start3A_841 = tpu.memref_squeeze %dma_start3A_840 : memref<1x256xi32, #tpu.memory_space<vmem>> -> memref<256xi32, #tpu.memory_space<vmem>>
      %dma_start3A_842 = tpu.memref_slice %arg3[%mul3A_833] : memref<819200xi32, #tpu.memory_space<hbm>> -> memref<256xi32, #tpu.memory_space<hbm>>
      tpu.enqueue_dma source(%dma_start3A_842 : memref<256xi32, #tpu.memory_space<hbm>>) target(%dma_start3A_841 : memref<256xi32, #tpu.memory_space<vmem>>) target_semaphore(%arg18 : memref<!tpu.dma_semaphore, #tpu.memory_space<semaphore_mem>>)
      %dma_wait3A_843 = arith.constant 0 : i32
      %dma_wait3A_844 = arith.constant 0 : i32
      %dma_wait3A_845 = tpu.memref_slice %arg2[%dma_wait3A_843, %dma_wait3A_844] : memref<1000000x32xf32, #tpu.memory_space<hbm>> -> memref<256x32xf32, #tpu.memory_space<hbm>>
      %dma_wait3A_846 = arith.constant 0 : i32
      %dma_wait3A_847 = arith.constant 0 : i32
      %dma_wait3A_848 = tpu.memref_slice %arg2[%dma_wait3A_846, %dma_wait3A_847] : memref<1000000x32xf32, #tpu.memory_space<hbm>> -> memref<256x32xf32, #tpu.memory_space<hbm>>
      tpu.wait_dma2 semaphore(%arg12 : memref<!tpu.dma_semaphore, #tpu.memory_space<semaphore_mem>>) src(%dma_wait3A_848 : memref<256x32xf32, #tpu.memory_space<hbm>>) dst(%arg8 : memref<256x32xf32, #tpu.memory_space<vmem>>)
      %sub3A_849 = arith.constant 1 : i32
      %sub3A_850 = arith.subi %add3A_785, %sub3A_849 : i32
      %mul3A_851 = arith.constant 32 : i32
      %mul3A_852 = arith.muli %sub3A_850, %mul3A_851 : i32
      %add3A_853 = arith.addi %mul3A_852, %add3A : i32
      %mul3A_854 = arith.constant 256 : i32
      %mul3A_855 = arith.muli %add3A_853, %mul3A_854 : i32
      %dma_start3A_856 = arith.constant 0 : i32
      %dma_start3A_857 = tpu.memref_slice %arg4[%mul3A_855, %dma_start3A_856] : memref<819200x32xf32, #tpu.memory_space<hbm>> -> memref<256x32xf32, #tpu.memory_space<hbm>>
      %dma_start3A_858 = arith.constant 0 : i32
      %dma_start3A_859 = tpu.memref_slice %arg4[%mul3A_855, %dma_start3A_858] : memref<819200x32xf32, #tpu.memory_space<hbm>> -> memref<256x32xf32, #tpu.memory_space<hbm>>
      tpu.enqueue_dma source(%arg8 : memref<256x32xf32, #tpu.memory_space<vmem>>) target(%dma_start3A_859 : memref<256x32xf32, #tpu.memory_space<hbm>>) target_semaphore(%arg16 : memref<!tpu.dma_semaphore, #tpu.memory_space<semaphore_mem>>)
    }
    %scan3A_250 = arith.constant 23 : i32
    %dma_wait3A_251 = arith.constant 0 : i32
    %dma_wait3A_252 = arith.constant 0 : i32
    %dma_wait3A_253 = tpu.memref_slice %arg4[%dma_wait3A_251, %dma_wait3A_252] : memref<819200x32xf32, #tpu.memory_space<hbm>> -> memref<256x32xf32, #tpu.memory_space<hbm>>
    %dma_wait3A_254 = arith.constant 0 : i32
    %dma_wait3A_255 = arith.constant 0 : i32
    %dma_wait3A_256 = tpu.memref_slice %arg4[%dma_wait3A_254, %dma_wait3A_255] : memref<819200x32xf32, #tpu.memory_space<hbm>> -> memref<256x32xf32, #tpu.memory_space<hbm>>
    tpu.wait_dma2 semaphore(%arg14 : memref<!tpu.dma_semaphore, #tpu.memory_space<semaphore_mem>>) src(%arg6 : memref<256x32xf32, #tpu.memory_space<vmem>>) dst(%dma_wait3A_256 : memref<256x32xf32, #tpu.memory_space<hbm>>)
    %dma_wait3A_257 = arith.constant 0 : i32
    %dma_wait3A_258 = arith.constant 0 : i32
    %dma_wait3A_259 = tpu.memref_slice %arg5[%dma_wait3A_257, %dma_wait3A_258] : memref<4x256xi32, #tpu.memory_space<vmem>> -> memref<1x256xi32, #tpu.memory_space<vmem>>
    %dma_wait3A_260 = tpu.memref_squeeze %dma_wait3A_259 : memref<1x256xi32, #tpu.memory_space<vmem>> -> memref<256xi32, #tpu.memory_space<vmem>>
    %dma_wait3A_261 = arith.constant 0 : i32
    %dma_wait3A_262 = tpu.memref_slice %arg3[%dma_wait3A_261] : memref<819200xi32, #tpu.memory_space<hbm>> -> memref<256xi32, #tpu.memory_space<hbm>>
    %dma_wait3A_263 = arith.constant 0 : i32
    %dma_wait3A_264 = tpu.memref_slice %arg5[%dma_wait3A_257, %dma_wait3A_263] : memref<4x256xi32, #tpu.memory_space<vmem>> -> memref<1x256xi32, #tpu.memory_space<vmem>>
    %dma_wait3A_265 = tpu.memref_squeeze %dma_wait3A_264 : memref<1x256xi32, #tpu.memory_space<vmem>> -> memref<256xi32, #tpu.memory_space<vmem>>
    %dma_wait3A_266 = arith.constant 0 : i32
    %dma_wait3A_267 = tpu.memref_slice %arg3[%dma_wait3A_266] : memref<819200xi32, #tpu.memory_space<hbm>> -> memref<256xi32, #tpu.memory_space<hbm>>
    tpu.wait_dma2 semaphore(%arg18 : memref<!tpu.dma_semaphore, #tpu.memory_space<semaphore_mem>>) src(%dma_wait3A_267 : memref<256xi32, #tpu.memory_space<hbm>>) dst(%dma_wait3A_265 : memref<256xi32, #tpu.memory_space<vmem>>)
    %dma_start3A_268 = arith.constant 0 : i32
    %dma_start3A_269 = arith.constant 0 : i32
    %dma_start3A_270 = arith.constant 0 : i32
    %dma_start3A_271 = tpu.memref_slice %arg6[%dma_start3A_269, %dma_start3A_270] : memref<256x32xf32, #tpu.memory_space<vmem>> -> memref<128x32xf32, #tpu.memory_space<vmem>>
    %dma_start3A_272 = arith.constant 0 : i32
    %dma_start3A_273 = tpu.memref_slice %arg5[%dma_start3A_268, %dma_start3A_272] : memref<4x256xi32, #tpu.memory_space<vmem>> -> memref<1x256xi32, #tpu.memory_space<vmem>>
    %dma_start3A_274 = tpu.memref_squeeze %dma_start3A_273 : memref<1x256xi32, #tpu.memory_space<vmem>> -> memref<256xi32, #tpu.memory_space<vmem>>
    %dma_start3A_275 = arith.constant 0 : i32
    %dma_start3A_276 = tpu.memref_slice %dma_start3A_274[%dma_start3A_275] : memref<256xi32, #tpu.memory_space<vmem>> -> memref<128xi32, #tpu.memory_space<vmem>>
    %dma_start3A_277 = arith.constant 0 : i32
    %dma_start3A_278 = arith.constant 0 : i32
    %dma_start3A_279 = tpu.memref_slice %arg2[%dma_start3A_277, %dma_start3A_278] : memref<1000000x32xf32, #tpu.memory_space<hbm>> -> memref<1000000x32xf32, #tpu.memory_space<hbm>>
    tpu.enqueue_indirect_dma source(%dma_start3A_279 : memref<1000000x32xf32, #tpu.memory_space<hbm>>) target(%dma_start3A_271 : memref<128x32xf32, #tpu.memory_space<vmem>>) offsets(%dma_start3A_276 : memref<128xi32, #tpu.memory_space<vmem>>) semaphore(%arg10 : memref<!tpu.dma_semaphore, #tpu.memory_space<semaphore_mem>>)
    %dma_start3A_280 = arith.constant 0 : i32
    %dma_start3A_281 = arith.constant 128 : i32
    %dma_start3A_282 = arith.constant 0 : i32
    %dma_start3A_283 = tpu.memref_slice %arg6[%dma_start3A_281, %dma_start3A_282] : memref<256x32xf32, #tpu.memory_space<vmem>> -> memref<128x32xf32, #tpu.memory_space<vmem>>
    %dma_start3A_284 = arith.constant 0 : i32
    %dma_start3A_285 = tpu.memref_slice %arg5[%dma_start3A_280, %dma_start3A_284] : memref<4x256xi32, #tpu.memory_space<vmem>> -> memref<1x256xi32, #tpu.memory_space<vmem>>
    %dma_start3A_286 = tpu.memref_squeeze %dma_start3A_285 : memref<1x256xi32, #tpu.memory_space<vmem>> -> memref<256xi32, #tpu.memory_space<vmem>>
    %dma_start3A_287 = arith.constant 128 : i32
    %dma_start3A_288 = tpu.memref_slice %dma_start3A_286[%dma_start3A_287] : memref<256xi32, #tpu.memory_space<vmem>> -> memref<128xi32, #tpu.memory_space<vmem>>
    %dma_start3A_289 = arith.constant 0 : i32
    %dma_start3A_290 = arith.constant 0 : i32
    %dma_start3A_291 = tpu.memref_slice %arg2[%dma_start3A_289, %dma_start3A_290] : memref<1000000x32xf32, #tpu.memory_space<hbm>> -> memref<1000000x32xf32, #tpu.memory_space<hbm>>
    tpu.enqueue_indirect_dma source(%dma_start3A_291 : memref<1000000x32xf32, #tpu.memory_space<hbm>>) target(%dma_start3A_283 : memref<128x32xf32, #tpu.memory_space<vmem>>) offsets(%dma_start3A_288 : memref<128xi32, #tpu.memory_space<vmem>>) semaphore(%arg10 : memref<!tpu.dma_semaphore, #tpu.memory_space<semaphore_mem>>)
    %add3A_292 = arith.constant 3104 : i32
    %add3A_293 = arith.addi %add3A_292, %add3A : i32
    %mul3A_294 = arith.constant 256 : i32
    %mul3A_295 = arith.muli %add3A_293, %mul3A_294 : i32
    %dma_start3A_296 = arith.constant 1 : i32
    %dma_start3A_297 = arith.constant 0 : i32
    %dma_start3A_298 = tpu.memref_slice %arg5[%dma_start3A_296, %dma_start3A_297] : memref<4x256xi32, #tpu.memory_space<vmem>> -> memref<1x256xi32, #tpu.memory_space<vmem>>
    %dma_start3A_299 = tpu.memref_squeeze %dma_start3A_298 : memref<1x256xi32, #tpu.memory_space<vmem>> -> memref<256xi32, #tpu.memory_space<vmem>>
    %dma_start3A_300 = tpu.memref_slice %arg3[%mul3A_295] : memref<819200xi32, #tpu.memory_space<hbm>> -> memref<256xi32, #tpu.memory_space<hbm>>
    %dma_start3A_301 = arith.constant 0 : i32
    %dma_start3A_302 = tpu.memref_slice %arg5[%dma_start3A_296, %dma_start3A_301] : memref<4x256xi32, #tpu.memory_space<vmem>> -> memref<1x256xi32, #tpu.memory_space<vmem>>
    %dma_start3A_303 = tpu.memref_squeeze %dma_start3A_302 : memref<1x256xi32, #tpu.memory_space<vmem>> -> memref<256xi32, #tpu.memory_space<vmem>>
    %dma_start3A_304 = tpu.memref_slice %arg3[%mul3A_295] : memref<819200xi32, #tpu.memory_space<hbm>> -> memref<256xi32, #tpu.memory_space<hbm>>
    tpu.enqueue_dma source(%dma_start3A_304 : memref<256xi32, #tpu.memory_space<hbm>>) target(%dma_start3A_303 : memref<256xi32, #tpu.memory_space<vmem>>) target_semaphore(%arg19 : memref<!tpu.dma_semaphore, #tpu.memory_space<semaphore_mem>>)
    %dma_wait3A_305 = arith.constant 0 : i32
    %dma_wait3A_306 = arith.constant 0 : i32
    %dma_wait3A_307 = tpu.memref_slice %arg2[%dma_wait3A_305, %dma_wait3A_306] : memref<1000000x32xf32, #tpu.memory_space<hbm>> -> memref<256x32xf32, #tpu.memory_space<hbm>>
    %dma_wait3A_308 = arith.constant 0 : i32
    %dma_wait3A_309 = arith.constant 0 : i32
    %dma_wait3A_310 = tpu.memref_slice %arg2[%dma_wait3A_308, %dma_wait3A_309] : memref<1000000x32xf32, #tpu.memory_space<hbm>> -> memref<256x32xf32, #tpu.memory_space<hbm>>
    tpu.wait_dma2 semaphore(%arg13 : memref<!tpu.dma_semaphore, #tpu.memory_space<semaphore_mem>>) src(%dma_wait3A_310 : memref<256x32xf32, #tpu.memory_space<hbm>>) dst(%arg9 : memref<256x32xf32, #tpu.memory_space<vmem>>)
    %add3A_311 = arith.constant 3040 : i32
    %add3A_312 = arith.addi %add3A_311, %add3A : i32
    %mul3A_313 = arith.constant 256 : i32
    %mul3A_314 = arith.muli %add3A_312, %mul3A_313 : i32
    %dma_start3A_315 = arith.constant 0 : i32
    %dma_start3A_316 = tpu.memref_slice %arg4[%mul3A_314, %dma_start3A_315] : memref<819200x32xf32, #tpu.memory_space<hbm>> -> memref<256x32xf32, #tpu.memory_space<hbm>>
    %dma_start3A_317 = arith.constant 0 : i32
    %dma_start3A_318 = tpu.memref_slice %arg4[%mul3A_314, %dma_start3A_317] : memref<819200x32xf32, #tpu.memory_space<hbm>> -> memref<256x32xf32, #tpu.memory_space<hbm>>
    tpu.enqueue_dma source(%arg9 : memref<256x32xf32, #tpu.memory_space<vmem>>) target(%dma_start3A_318 : memref<256x32xf32, #tpu.memory_space<hbm>>) target_semaphore(%arg17 : memref<!tpu.dma_semaphore, #tpu.memory_space<semaphore_mem>>)
    %dma_wait3A_319 = arith.constant 0 : i32
    %dma_wait3A_320 = arith.constant 0 : i32
    %dma_wait3A_321 = tpu.memref_slice %arg4[%dma_wait3A_319, %dma_wait3A_320] : memref<819200x32xf32, #tpu.memory_space<hbm>> -> memref<256x32xf32, #tpu.memory_space<hbm>>
    %dma_wait3A_322 = arith.constant 0 : i32
    %dma_wait3A_323 = arith.constant 0 : i32
    %dma_wait3A_324 = tpu.memref_slice %arg4[%dma_wait3A_322, %dma_wait3A_323] : memref<819200x32xf32, #tpu.memory_space<hbm>> -> memref<256x32xf32, #tpu.memory_space<hbm>>
    tpu.wait_dma2 semaphore(%arg15 : memref<!tpu.dma_semaphore, #tpu.memory_space<semaphore_mem>>) src(%arg7 : memref<256x32xf32, #tpu.memory_space<vmem>>) dst(%dma_wait3A_324 : memref<256x32xf32, #tpu.memory_space<hbm>>)
    %dma_wait3A_325 = arith.constant 1 : i32
    %dma_wait3A_326 = arith.constant 0 : i32
    %dma_wait3A_327 = tpu.memref_slice %arg5[%dma_wait3A_325, %dma_wait3A_326] : memref<4x256xi32, #tpu.memory_space<vmem>> -> memref<1x256xi32, #tpu.memory_space<vmem>>
    %dma_wait3A_328 = tpu.memref_squeeze %dma_wait3A_327 : memref<1x256xi32, #tpu.memory_space<vmem>> -> memref<256xi32, #tpu.memory_space<vmem>>
    %dma_wait3A_329 = arith.constant 0 : i32
    %dma_wait3A_330 = tpu.memref_slice %arg3[%dma_wait3A_329] : memref<819200xi32, #tpu.memory_space<hbm>> -> memref<256xi32, #tpu.memory_space<hbm>>
    %dma_wait3A_331 = arith.constant 0 : i32
    %dma_wait3A_332 = tpu.memref_slice %arg5[%dma_wait3A_325, %dma_wait3A_331] : memref<4x256xi32, #tpu.memory_space<vmem>> -> memref<1x256xi32, #tpu.memory_space<vmem>>
    %dma_wait3A_333 = tpu.memref_squeeze %dma_wait3A_332 : memref<1x256xi32, #tpu.memory_space<vmem>> -> memref<256xi32, #tpu.memory_space<vmem>>
    %dma_wait3A_334 = arith.constant 0 : i32
    %dma_wait3A_335 = tpu.memref_slice %arg3[%dma_wait3A_334] : memref<819200xi32, #tpu.memory_space<hbm>> -> memref<256xi32, #tpu.memory_space<hbm>>
    tpu.wait_dma2 semaphore(%arg19 : memref<!tpu.dma_semaphore, #tpu.memory_space<semaphore_mem>>) src(%dma_wait3A_335 : memref<256xi32, #tpu.memory_space<hbm>>) dst(%dma_wait3A_333 : memref<256xi32, #tpu.memory_space<vmem>>)
    %dma_start3A_336 = arith.constant 1 : i32
    %dma_start3A_337 = arith.constant 0 : i32
    %dma_start3A_338 = arith.constant 0 : i32
    %dma_start3A_339 = tpu.memref_slice %arg7[%dma_start3A_337, %dma_start3A_338] : memref<256x32xf32, #tpu.memory_space<vmem>> -> memref<128x32xf32, #tpu.memory_space<vmem>>
    %dma_start3A_340 = arith.constant 0 : i32
    %dma_start3A_341 = tpu.memref_slice %arg5[%dma_start3A_336, %dma_start3A_340] : memref<4x256xi32, #tpu.memory_space<vmem>> -> memref<1x256xi32, #tpu.memory_space<vmem>>
    %dma_start3A_342 = tpu.memref_squeeze %dma_start3A_341 : memref<1x256xi32, #tpu.memory_space<vmem>> -> memref<256xi32, #tpu.memory_space<vmem>>
    %dma_start3A_343 = arith.constant 0 : i32
    %dma_start3A_344 = tpu.memref_slice %dma_start3A_342[%dma_start3A_343] : memref<256xi32, #tpu.memory_space<vmem>> -> memref<128xi32, #tpu.memory_space<vmem>>
    %dma_start3A_345 = arith.constant 0 : i32
    %dma_start3A_346 = arith.constant 0 : i32
    %dma_start3A_347 = tpu.memref_slice %arg2[%dma_start3A_345, %dma_start3A_346] : memref<1000000x32xf32, #tpu.memory_space<hbm>> -> memref<1000000x32xf32, #tpu.memory_space<hbm>>
    tpu.enqueue_indirect_dma source(%dma_start3A_347 : memref<1000000x32xf32, #tpu.memory_space<hbm>>) target(%dma_start3A_339 : memref<128x32xf32, #tpu.memory_space<vmem>>) offsets(%dma_start3A_344 : memref<128xi32, #tpu.memory_space<vmem>>) semaphore(%arg11 : memref<!tpu.dma_semaphore, #tpu.memory_space<semaphore_mem>>)
    %dma_start3A_348 = arith.constant 1 : i32
    %dma_start3A_349 = arith.constant 128 : i32
    %dma_start3A_350 = arith.constant 0 : i32
    %dma_start3A_351 = tpu.memref_slice %arg7[%dma_start3A_349, %dma_start3A_350] : memref<256x32xf32, #tpu.memory_space<vmem>> -> memref<128x32xf32, #tpu.memory_space<vmem>>
    %dma_start3A_352 = arith.constant 0 : i32
    %dma_start3A_353 = tpu.memref_slice %arg5[%dma_start3A_348, %dma_start3A_352] : memref<4x256xi32, #tpu.memory_space<vmem>> -> memref<1x256xi32, #tpu.memory_space<vmem>>
    %dma_start3A_354 = tpu.memref_squeeze %dma_start3A_353 : memref<1x256xi32, #tpu.memory_space<vmem>> -> memref<256xi32, #tpu.memory_space<vmem>>
    %dma_start3A_355 = arith.constant 128 : i32
    %dma_start3A_356 = tpu.memref_slice %dma_start3A_354[%dma_start3A_355] : memref<256xi32, #tpu.memory_space<vmem>> -> memref<128xi32, #tpu.memory_space<vmem>>
    %dma_start3A_357 = arith.constant 0 : i32
    %dma_start3A_358 = arith.constant 0 : i32
    %dma_start3A_359 = tpu.memref_slice %arg2[%dma_start3A_357, %dma_start3A_358] : memref<1000000x32xf32, #tpu.memory_space<hbm>> -> memref<1000000x32xf32, #tpu.memory_space<hbm>>
    tpu.enqueue_indirect_dma source(%dma_start3A_359 : memref<1000000x32xf32, #tpu.memory_space<hbm>>) target(%dma_start3A_351 : memref<128x32xf32, #tpu.memory_space<vmem>>) offsets(%dma_start3A_356 : memref<128xi32, #tpu.memory_space<vmem>>) semaphore(%arg11 : memref<!tpu.dma_semaphore, #tpu.memory_space<semaphore_mem>>)
    %add3A_360 = arith.constant 3136 : i32
    %add3A_361 = arith.addi %add3A_360, %add3A : i32
    %mul3A_362 = arith.constant 256 : i32
    %mul3A_363 = arith.muli %add3A_361, %mul3A_362 : i32
    %dma_start3A_364 = arith.constant 2 : i32
    %dma_start3A_365 = arith.constant 0 : i32
    %dma_start3A_366 = tpu.memref_slice %arg5[%dma_start3A_364, %dma_start3A_365] : memref<4x256xi32, #tpu.memory_space<vmem>> -> memref<1x256xi32, #tpu.memory_space<vmem>>
    %dma_start3A_367 = tpu.memref_squeeze %dma_start3A_366 : memref<1x256xi32, #tpu.memory_space<vmem>> -> memref<256xi32, #tpu.memory_space<vmem>>
    %dma_start3A_368 = tpu.memref_slice %arg3[%mul3A_363] : memref<819200xi32, #tpu.memory_space<hbm>> -> memref<256xi32, #tpu.memory_space<hbm>>
    %dma_start3A_369 = arith.constant 0 : i32
    %dma_start3A_370 = tpu.memref_slice %arg5[%dma_start3A_364, %dma_start3A_369] : memref<4x256xi32, #tpu.memory_space<vmem>> -> memref<1x256xi32, #tpu.memory_space<vmem>>
    %dma_start3A_371 = tpu.memref_squeeze %dma_start3A_370 : memref<1x256xi32, #tpu.memory_space<vmem>> -> memref<256xi32, #tpu.memory_space<vmem>>
    %dma_start3A_372 = tpu.memref_slice %arg3[%mul3A_363] : memref<819200xi32, #tpu.memory_space<hbm>> -> memref<256xi32, #tpu.memory_space<hbm>>
    tpu.enqueue_dma source(%dma_start3A_372 : memref<256xi32, #tpu.memory_space<hbm>>) target(%dma_start3A_371 : memref<256xi32, #tpu.memory_space<vmem>>) target_semaphore(%arg20 : memref<!tpu.dma_semaphore, #tpu.memory_space<semaphore_mem>>)
    %dma_wait3A_373 = arith.constant 0 : i32
    %dma_wait3A_374 = arith.constant 0 : i32
    %dma_wait3A_375 = tpu.memref_slice %arg2[%dma_wait3A_373, %dma_wait3A_374] : memref<1000000x32xf32, #tpu.memory_space<hbm>> -> memref<256x32xf32, #tpu.memory_space<hbm>>
    %dma_wait3A_376 = arith.constant 0 : i32
    %dma_wait3A_377 = arith.constant 0 : i32
    %dma_wait3A_378 = tpu.memref_slice %arg2[%dma_wait3A_376, %dma_wait3A_377] : memref<1000000x32xf32, #tpu.memory_space<hbm>> -> memref<256x32xf32, #tpu.memory_space<hbm>>
    tpu.wait_dma2 semaphore(%arg10 : memref<!tpu.dma_semaphore, #tpu.memory_space<semaphore_mem>>) src(%dma_wait3A_378 : memref<256x32xf32, #tpu.memory_space<hbm>>) dst(%arg6 : memref<256x32xf32, #tpu.memory_space<vmem>>)
    %add3A_379 = arith.constant 3072 : i32
    %add3A_380 = arith.addi %add3A_379, %add3A : i32
    %mul3A_381 = arith.constant 256 : i32
    %mul3A_382 = arith.muli %add3A_380, %mul3A_381 : i32
    %dma_start3A_383 = arith.constant 0 : i32
    %dma_start3A_384 = tpu.memref_slice %arg4[%mul3A_382, %dma_start3A_383] : memref<819200x32xf32, #tpu.memory_space<hbm>> -> memref<256x32xf32, #tpu.memory_space<hbm>>
    %dma_start3A_385 = arith.constant 0 : i32
    %dma_start3A_386 = tpu.memref_slice %arg4[%mul3A_382, %dma_start3A_385] : memref<819200x32xf32, #tpu.memory_space<hbm>> -> memref<256x32xf32, #tpu.memory_space<hbm>>
    tpu.enqueue_dma source(%arg6 : memref<256x32xf32, #tpu.memory_space<vmem>>) target(%dma_start3A_386 : memref<256x32xf32, #tpu.memory_space<hbm>>) target_semaphore(%arg14 : memref<!tpu.dma_semaphore, #tpu.memory_space<semaphore_mem>>)
    %dma_wait3A_387 = arith.constant 0 : i32
    %dma_wait3A_388 = arith.constant 0 : i32
    %dma_wait3A_389 = tpu.memref_slice %arg4[%dma_wait3A_387, %dma_wait3A_388] : memref<819200x32xf32, #tpu.memory_space<hbm>> -> memref<256x32xf32, #tpu.memory_space<hbm>>
    %dma_wait3A_390 = arith.constant 0 : i32
    %dma_wait3A_391 = arith.constant 0 : i32
    %dma_wait3A_392 = tpu.memref_slice %arg4[%dma_wait3A_390, %dma_wait3A_391] : memref<819200x32xf32, #tpu.memory_space<hbm>> -> memref<256x32xf32, #tpu.memory_space<hbm>>
    tpu.wait_dma2 semaphore(%arg16 : memref<!tpu.dma_semaphore, #tpu.memory_space<semaphore_mem>>) src(%arg8 : memref<256x32xf32, #tpu.memory_space<vmem>>) dst(%dma_wait3A_392 : memref<256x32xf32, #tpu.memory_space<hbm>>)
    %dma_wait3A_393 = arith.constant 2 : i32
    %dma_wait3A_394 = arith.constant 0 : i32
    %dma_wait3A_395 = tpu.memref_slice %arg5[%dma_wait3A_393, %dma_wait3A_394] : memref<4x256xi32, #tpu.memory_space<vmem>> -> memref<1x256xi32, #tpu.memory_space<vmem>>
    %dma_wait3A_396 = tpu.memref_squeeze %dma_wait3A_395 : memref<1x256xi32, #tpu.memory_space<vmem>> -> memref<256xi32, #tpu.memory_space<vmem>>
    %dma_wait3A_397 = arith.constant 0 : i32
    %dma_wait3A_398 = tpu.memref_slice %arg3[%dma_wait3A_397] : memref<819200xi32, #tpu.memory_space<hbm>> -> memref<256xi32, #tpu.memory_space<hbm>>
    %dma_wait3A_399 = arith.constant 0 : i32
    %dma_wait3A_400 = tpu.memref_slice %arg5[%dma_wait3A_393, %dma_wait3A_399] : memref<4x256xi32, #tpu.memory_space<vmem>> -> memref<1x256xi32, #tpu.memory_space<vmem>>
    %dma_wait3A_401 = tpu.memref_squeeze %dma_wait3A_400 : memref<1x256xi32, #tpu.memory_space<vmem>> -> memref<256xi32, #tpu.memory_space<vmem>>
    %dma_wait3A_402 = arith.constant 0 : i32
    %dma_wait3A_403 = tpu.memref_slice %arg3[%dma_wait3A_402] : memref<819200xi32, #tpu.memory_space<hbm>> -> memref<256xi32, #tpu.memory_space<hbm>>
    tpu.wait_dma2 semaphore(%arg20 : memref<!tpu.dma_semaphore, #tpu.memory_space<semaphore_mem>>) src(%dma_wait3A_403 : memref<256xi32, #tpu.memory_space<hbm>>) dst(%dma_wait3A_401 : memref<256xi32, #tpu.memory_space<vmem>>)
    %dma_start3A_404 = arith.constant 2 : i32
    %dma_start3A_405 = arith.constant 0 : i32
    %dma_start3A_406 = arith.constant 0 : i32
    %dma_start3A_407 = tpu.memref_slice %arg8[%dma_start3A_405, %dma_start3A_406] : memref<256x32xf32, #tpu.memory_space<vmem>> -> memref<128x32xf32, #tpu.memory_space<vmem>>
    %dma_start3A_408 = arith.constant 0 : i32
    %dma_start3A_409 = tpu.memref_slice %arg5[%dma_start3A_404, %dma_start3A_408] : memref<4x256xi32, #tpu.memory_space<vmem>> -> memref<1x256xi32, #tpu.memory_space<vmem>>
    %dma_start3A_410 = tpu.memref_squeeze %dma_start3A_409 : memref<1x256xi32, #tpu.memory_space<vmem>> -> memref<256xi32, #tpu.memory_space<vmem>>
    %dma_start3A_411 = arith.constant 0 : i32
    %dma_start3A_412 = tpu.memref_slice %dma_start3A_410[%dma_start3A_411] : memref<256xi32, #tpu.memory_space<vmem>> -> memref<128xi32, #tpu.memory_space<vmem>>
    %dma_start3A_413 = arith.constant 0 : i32
    %dma_start3A_414 = arith.constant 0 : i32
    %dma_start3A_415 = tpu.memref_slice %arg2[%dma_start3A_413, %dma_start3A_414] : memref<1000000x32xf32, #tpu.memory_space<hbm>> -> memref<1000000x32xf32, #tpu.memory_space<hbm>>
    tpu.enqueue_indirect_dma source(%dma_start3A_415 : memref<1000000x32xf32, #tpu.memory_space<hbm>>) target(%dma_start3A_407 : memref<128x32xf32, #tpu.memory_space<vmem>>) offsets(%dma_start3A_412 : memref<128xi32, #tpu.memory_space<vmem>>) semaphore(%arg12 : memref<!tpu.dma_semaphore, #tpu.memory_space<semaphore_mem>>)
    %dma_start3A_416 = arith.constant 2 : i32
    %dma_start3A_417 = arith.constant 128 : i32
    %dma_start3A_418 = arith.constant 0 : i32
    %dma_start3A_419 = tpu.memref_slice %arg8[%dma_start3A_417, %dma_start3A_418] : memref<256x32xf32, #tpu.memory_space<vmem>> -> memref<128x32xf32, #tpu.memory_space<vmem>>
    %dma_start3A_420 = arith.constant 0 : i32
    %dma_start3A_421 = tpu.memref_slice %arg5[%dma_start3A_416, %dma_start3A_420] : memref<4x256xi32, #tpu.memory_space<vmem>> -> memref<1x256xi32, #tpu.memory_space<vmem>>
    %dma_start3A_422 = tpu.memref_squeeze %dma_start3A_421 : memref<1x256xi32, #tpu.memory_space<vmem>> -> memref<256xi32, #tpu.memory_space<vmem>>
    %dma_start3A_423 = arith.constant 128 : i32
    %dma_start3A_424 = tpu.memref_slice %dma_start3A_422[%dma_start3A_423] : memref<256xi32, #tpu.memory_space<vmem>> -> memref<128xi32, #tpu.memory_space<vmem>>
    %dma_start3A_425 = arith.constant 0 : i32
    %dma_start3A_426 = arith.constant 0 : i32
    %dma_start3A_427 = tpu.memref_slice %arg2[%dma_start3A_425, %dma_start3A_426] : memref<1000000x32xf32, #tpu.memory_space<hbm>> -> memref<1000000x32xf32, #tpu.memory_space<hbm>>
    tpu.enqueue_indirect_dma source(%dma_start3A_427 : memref<1000000x32xf32, #tpu.memory_space<hbm>>) target(%dma_start3A_419 : memref<128x32xf32, #tpu.memory_space<vmem>>) offsets(%dma_start3A_424 : memref<128xi32, #tpu.memory_space<vmem>>) semaphore(%arg12 : memref<!tpu.dma_semaphore, #tpu.memory_space<semaphore_mem>>)
    %add3A_428 = arith.constant 3168 : i32
    %add3A_429 = arith.addi %add3A_428, %add3A : i32
    %mul3A_430 = arith.constant 256 : i32
    %mul3A_431 = arith.muli %add3A_429, %mul3A_430 : i32
    %dma_start3A_432 = arith.constant 3 : i32
    %dma_start3A_433 = arith.constant 0 : i32
    %dma_start3A_434 = tpu.memref_slice %arg5[%dma_start3A_432, %dma_start3A_433] : memref<4x256xi32, #tpu.memory_space<vmem>> -> memref<1x256xi32, #tpu.memory_space<vmem>>
    %dma_start3A_435 = tpu.memref_squeeze %dma_start3A_434 : memref<1x256xi32, #tpu.memory_space<vmem>> -> memref<256xi32, #tpu.memory_space<vmem>>
    %dma_start3A_436 = tpu.memref_slice %arg3[%mul3A_431] : memref<819200xi32, #tpu.memory_space<hbm>> -> memref<256xi32, #tpu.memory_space<hbm>>
    %dma_start3A_437 = arith.constant 0 : i32
    %dma_start3A_438 = tpu.memref_slice %arg5[%dma_start3A_432, %dma_start3A_437] : memref<4x256xi32, #tpu.memory_space<vmem>> -> memref<1x256xi32, #tpu.memory_space<vmem>>
    %dma_start3A_439 = tpu.memref_squeeze %dma_start3A_438 : memref<1x256xi32, #tpu.memory_space<vmem>> -> memref<256xi32, #tpu.memory_space<vmem>>
    %dma_start3A_440 = tpu.memref_slice %arg3[%mul3A_431] : memref<819200xi32, #tpu.memory_space<hbm>> -> memref<256xi32, #tpu.memory_space<hbm>>
    tpu.enqueue_dma source(%dma_start3A_440 : memref<256xi32, #tpu.memory_space<hbm>>) target(%dma_start3A_439 : memref<256xi32, #tpu.memory_space<vmem>>) target_semaphore(%arg21 : memref<!tpu.dma_semaphore, #tpu.memory_space<semaphore_mem>>)
    %dma_wait3A_441 = arith.constant 0 : i32
    %dma_wait3A_442 = arith.constant 0 : i32
    %dma_wait3A_443 = tpu.memref_slice %arg2[%dma_wait3A_441, %dma_wait3A_442] : memref<1000000x32xf32, #tpu.memory_space<hbm>> -> memref<256x32xf32, #tpu.memory_space<hbm>>
    %dma_wait3A_444 = arith.constant 0 : i32
    %dma_wait3A_445 = arith.constant 0 : i32
    %dma_wait3A_446 = tpu.memref_slice %arg2[%dma_wait3A_444, %dma_wait3A_445] : memref<1000000x32xf32, #tpu.memory_space<hbm>> -> memref<256x32xf32, #tpu.memory_space<hbm>>
    tpu.wait_dma2 semaphore(%arg11 : memref<!tpu.dma_semaphore, #tpu.memory_space<semaphore_mem>>) src(%dma_wait3A_446 : memref<256x32xf32, #tpu.memory_space<hbm>>) dst(%arg7 : memref<256x32xf32, #tpu.memory_space<vmem>>)
    %add3A_447 = arith.constant 3104 : i32
    %add3A_448 = arith.addi %add3A_447, %add3A : i32
    %mul3A_449 = arith.constant 256 : i32
    %mul3A_450 = arith.muli %add3A_448, %mul3A_449 : i32
    %dma_start3A_451 = arith.constant 0 : i32
    %dma_start3A_452 = tpu.memref_slice %arg4[%mul3A_450, %dma_start3A_451] : memref<819200x32xf32, #tpu.memory_space<hbm>> -> memref<256x32xf32, #tpu.memory_space<hbm>>
    %dma_start3A_453 = arith.constant 0 : i32
    %dma_start3A_454 = tpu.memref_slice %arg4[%mul3A_450, %dma_start3A_453] : memref<819200x32xf32, #tpu.memory_space<hbm>> -> memref<256x32xf32, #tpu.memory_space<hbm>>
    tpu.enqueue_dma source(%arg7 : memref<256x32xf32, #tpu.memory_space<vmem>>) target(%dma_start3A_454 : memref<256x32xf32, #tpu.memory_space<hbm>>) target_semaphore(%arg15 : memref<!tpu.dma_semaphore, #tpu.memory_space<semaphore_mem>>)
    %dma_wait3A_455 = arith.constant 0 : i32
    %dma_wait3A_456 = arith.constant 0 : i32
    %dma_wait3A_457 = tpu.memref_slice %arg4[%dma_wait3A_455, %dma_wait3A_456] : memref<819200x32xf32, #tpu.memory_space<hbm>> -> memref<256x32xf32, #tpu.memory_space<hbm>>
    %dma_wait3A_458 = arith.constant 0 : i32
    %dma_wait3A_459 = arith.constant 0 : i32
    %dma_wait3A_460 = tpu.memref_slice %arg4[%dma_wait3A_458, %dma_wait3A_459] : memref<819200x32xf32, #tpu.memory_space<hbm>> -> memref<256x32xf32, #tpu.memory_space<hbm>>
    tpu.wait_dma2 semaphore(%arg17 : memref<!tpu.dma_semaphore, #tpu.memory_space<semaphore_mem>>) src(%arg9 : memref<256x32xf32, #tpu.memory_space<vmem>>) dst(%dma_wait3A_460 : memref<256x32xf32, #tpu.memory_space<hbm>>)
    %dma_wait3A_461 = arith.constant 3 : i32
    %dma_wait3A_462 = arith.constant 0 : i32
    %dma_wait3A_463 = tpu.memref_slice %arg5[%dma_wait3A_461, %dma_wait3A_462] : memref<4x256xi32, #tpu.memory_space<vmem>> -> memref<1x256xi32, #tpu.memory_space<vmem>>
    %dma_wait3A_464 = tpu.memref_squeeze %dma_wait3A_463 : memref<1x256xi32, #tpu.memory_space<vmem>> -> memref<256xi32, #tpu.memory_space<vmem>>
    %dma_wait3A_465 = arith.constant 0 : i32
    %dma_wait3A_466 = tpu.memref_slice %arg3[%dma_wait3A_465] : memref<819200xi32, #tpu.memory_space<hbm>> -> memref<256xi32, #tpu.memory_space<hbm>>
    %dma_wait3A_467 = arith.constant 0 : i32
    %dma_wait3A_468 = tpu.memref_slice %arg5[%dma_wait3A_461, %dma_wait3A_467] : memref<4x256xi32, #tpu.memory_space<vmem>> -> memref<1x256xi32, #tpu.memory_space<vmem>>
    %dma_wait3A_469 = tpu.memref_squeeze %dma_wait3A_468 : memref<1x256xi32, #tpu.memory_space<vmem>> -> memref<256xi32, #tpu.memory_space<vmem>>
    %dma_wait3A_470 = arith.constant 0 : i32
    %dma_wait3A_471 = tpu.memref_slice %arg3[%dma_wait3A_470] : memref<819200xi32, #tpu.memory_space<hbm>> -> memref<256xi32, #tpu.memory_space<hbm>>
    tpu.wait_dma2 semaphore(%arg21 : memref<!tpu.dma_semaphore, #tpu.memory_space<semaphore_mem>>) src(%dma_wait3A_471 : memref<256xi32, #tpu.memory_space<hbm>>) dst(%dma_wait3A_469 : memref<256xi32, #tpu.memory_space<vmem>>)
    %dma_start3A_472 = arith.constant 3 : i32
    %dma_start3A_473 = arith.constant 0 : i32
    %dma_start3A_474 = arith.constant 0 : i32
    %dma_start3A_475 = tpu.memref_slice %arg9[%dma_start3A_473, %dma_start3A_474] : memref<256x32xf32, #tpu.memory_space<vmem>> -> memref<128x32xf32, #tpu.memory_space<vmem>>
    %dma_start3A_476 = arith.constant 0 : i32
    %dma_start3A_477 = tpu.memref_slice %arg5[%dma_start3A_472, %dma_start3A_476] : memref<4x256xi32, #tpu.memory_space<vmem>> -> memref<1x256xi32, #tpu.memory_space<vmem>>
    %dma_start3A_478 = tpu.memref_squeeze %dma_start3A_477 : memref<1x256xi32, #tpu.memory_space<vmem>> -> memref<256xi32, #tpu.memory_space<vmem>>
    %dma_start3A_479 = arith.constant 0 : i32
    %dma_start3A_480 = tpu.memref_slice %dma_start3A_478[%dma_start3A_479] : memref<256xi32, #tpu.memory_space<vmem>> -> memref<128xi32, #tpu.memory_space<vmem>>
    %dma_start3A_481 = arith.constant 0 : i32
    %dma_start3A_482 = arith.constant 0 : i32
    %dma_start3A_483 = tpu.memref_slice %arg2[%dma_start3A_481, %dma_start3A_482] : memref<1000000x32xf32, #tpu.memory_space<hbm>> -> memref<1000000x32xf32, #tpu.memory_space<hbm>>
    tpu.enqueue_indirect_dma source(%dma_start3A_483 : memref<1000000x32xf32, #tpu.memory_space<hbm>>) target(%dma_start3A_475 : memref<128x32xf32, #tpu.memory_space<vmem>>) offsets(%dma_start3A_480 : memref<128xi32, #tpu.memory_space<vmem>>) semaphore(%arg13 : memref<!tpu.dma_semaphore, #tpu.memory_space<semaphore_mem>>)
    %dma_start3A_484 = arith.constant 3 : i32
    %dma_start3A_485 = arith.constant 128 : i32
    %dma_start3A_486 = arith.constant 0 : i32
    %dma_start3A_487 = tpu.memref_slice %arg9[%dma_start3A_485, %dma_start3A_486] : memref<256x32xf32, #tpu.memory_space<vmem>> -> memref<128x32xf32, #tpu.memory_space<vmem>>
    %dma_start3A_488 = arith.constant 0 : i32
    %dma_start3A_489 = tpu.memref_slice %arg5[%dma_start3A_484, %dma_start3A_488] : memref<4x256xi32, #tpu.memory_space<vmem>> -> memref<1x256xi32, #tpu.memory_space<vmem>>
    %dma_start3A_490 = tpu.memref_squeeze %dma_start3A_489 : memref<1x256xi32, #tpu.memory_space<vmem>> -> memref<256xi32, #tpu.memory_space<vmem>>
    %dma_start3A_491 = arith.constant 128 : i32
    %dma_start3A_492 = tpu.memref_slice %dma_start3A_490[%dma_start3A_491] : memref<256xi32, #tpu.memory_space<vmem>> -> memref<128xi32, #tpu.memory_space<vmem>>
    %dma_start3A_493 = arith.constant 0 : i32
    %dma_start3A_494 = arith.constant 0 : i32
    %dma_start3A_495 = tpu.memref_slice %arg2[%dma_start3A_493, %dma_start3A_494] : memref<1000000x32xf32, #tpu.memory_space<hbm>> -> memref<1000000x32xf32, #tpu.memory_space<hbm>>
    tpu.enqueue_indirect_dma source(%dma_start3A_495 : memref<1000000x32xf32, #tpu.memory_space<hbm>>) target(%dma_start3A_487 : memref<128x32xf32, #tpu.memory_space<vmem>>) offsets(%dma_start3A_492 : memref<128xi32, #tpu.memory_space<vmem>>) semaphore(%arg13 : memref<!tpu.dma_semaphore, #tpu.memory_space<semaphore_mem>>)
    %dma_wait3A_496 = arith.constant 0 : i32
    %dma_wait3A_497 = arith.constant 0 : i32
    %dma_wait3A_498 = tpu.memref_slice %arg2[%dma_wait3A_496, %dma_wait3A_497] : memref<1000000x32xf32, #tpu.memory_space<hbm>> -> memref<256x32xf32, #tpu.memory_space<hbm>>
    %dma_wait3A_499 = arith.constant 0 : i32
    %dma_wait3A_500 = arith.constant 0 : i32
    %dma_wait3A_501 = tpu.memref_slice %arg2[%dma_wait3A_499, %dma_wait3A_500] : memref<1000000x32xf32, #tpu.memory_space<hbm>> -> memref<256x32xf32, #tpu.memory_space<hbm>>
    tpu.wait_dma2 semaphore(%arg12 : memref<!tpu.dma_semaphore, #tpu.memory_space<semaphore_mem>>) src(%dma_wait3A_501 : memref<256x32xf32, #tpu.memory_space<hbm>>) dst(%arg8 : memref<256x32xf32, #tpu.memory_space<vmem>>)
    %add3A_502 = arith.constant 3136 : i32
    %add3A_503 = arith.addi %add3A_502, %add3A : i32
    %mul3A_504 = arith.constant 256 : i32
    %mul3A_505 = arith.muli %add3A_503, %mul3A_504 : i32
    %dma_start3A_506 = arith.constant 0 : i32
    %dma_start3A_507 = tpu.memref_slice %arg4[%mul3A_505, %dma_start3A_506] : memref<819200x32xf32, #tpu.memory_space<hbm>> -> memref<256x32xf32, #tpu.memory_space<hbm>>
    %dma_start3A_508 = arith.constant 0 : i32
    %dma_start3A_509 = tpu.memref_slice %arg4[%mul3A_505, %dma_start3A_508] : memref<819200x32xf32, #tpu.memory_space<hbm>> -> memref<256x32xf32, #tpu.memory_space<hbm>>
    tpu.enqueue_dma source(%arg8 : memref<256x32xf32, #tpu.memory_space<vmem>>) target(%dma_start3A_509 : memref<256x32xf32, #tpu.memory_space<hbm>>) target_semaphore(%arg16 : memref<!tpu.dma_semaphore, #tpu.memory_space<semaphore_mem>>)
    %dma_wait3A_510 = arith.constant 0 : i32
    %dma_wait3A_511 = arith.constant 0 : i32
    %dma_wait3A_512 = tpu.memref_slice %arg2[%dma_wait3A_510, %dma_wait3A_511] : memref<1000000x32xf32, #tpu.memory_space<hbm>> -> memref<256x32xf32, #tpu.memory_space<hbm>>
    %dma_wait3A_513 = arith.constant 0 : i32
    %dma_wait3A_514 = arith.constant 0 : i32
    %dma_wait3A_515 = tpu.memref_slice %arg2[%dma_wait3A_513, %dma_wait3A_514] : memref<1000000x32xf32, #tpu.memory_space<hbm>> -> memref<256x32xf32, #tpu.memory_space<hbm>>
    tpu.wait_dma2 semaphore(%arg13 : memref<!tpu.dma_semaphore, #tpu.memory_space<semaphore_mem>>) src(%dma_wait3A_515 : memref<256x32xf32, #tpu.memory_space<hbm>>) dst(%arg9 : memref<256x32xf32, #tpu.memory_space<vmem>>)
    %add3A_516 = arith.constant 3168 : i32
    %add3A_517 = arith.addi %add3A_516, %add3A : i32
    %mul3A_518 = arith.constant 256 : i32
    %mul3A_519 = arith.muli %add3A_517, %mul3A_518 : i32
    %dma_start3A_520 = arith.constant 0 : i32
    %dma_start3A_521 = tpu.memref_slice %arg4[%mul3A_519, %dma_start3A_520] : memref<819200x32xf32, #tpu.memory_space<hbm>> -> memref<256x32xf32, #tpu.memory_space<hbm>>
    %dma_start3A_522 = arith.constant 0 : i32
    %dma_start3A_523 = tpu.memref_slice %arg4[%mul3A_519, %dma_start3A_522] : memref<819200x32xf32, #tpu.memory_space<hbm>> -> memref<256x32xf32, #tpu.memory_space<hbm>>
    tpu.enqueue_dma source(%arg9 : memref<256x32xf32, #tpu.memory_space<vmem>>) target(%dma_start3A_523 : memref<256x32xf32, #tpu.memory_space<hbm>>) target_semaphore(%arg17 : memref<!tpu.dma_semaphore, #tpu.memory_space<semaphore_mem>>)
    %dma_wait3A_524 = arith.constant 0 : i32
    %dma_wait3A_525 = arith.constant 0 : i32
    %dma_wait3A_526 = tpu.memref_slice %arg4[%dma_wait3A_524, %dma_wait3A_525] : memref<819200x32xf32, #tpu.memory_space<hbm>> -> memref<256x32xf32, #tpu.memory_space<hbm>>
    %dma_wait3A_527 = arith.constant 0 : i32
    %dma_wait3A_528 = arith.constant 0 : i32
    %dma_wait3A_529 = tpu.memref_slice %arg4[%dma_wait3A_527, %dma_wait3A_528] : memref<819200x32xf32, #tpu.memory_space<hbm>> -> memref<256x32xf32, #tpu.memory_space<hbm>>
    tpu.wait_dma2 semaphore(%arg14 : memref<!tpu.dma_semaphore, #tpu.memory_space<semaphore_mem>>) src(%arg6 : memref<256x32xf32, #tpu.memory_space<vmem>>) dst(%dma_wait3A_529 : memref<256x32xf32, #tpu.memory_space<hbm>>)
    %dma_wait3A_530 = arith.constant 0 : i32
    %dma_wait3A_531 = arith.constant 0 : i32
    %dma_wait3A_532 = tpu.memref_slice %arg4[%dma_wait3A_530, %dma_wait3A_531] : memref<819200x32xf32, #tpu.memory_space<hbm>> -> memref<256x32xf32, #tpu.memory_space<hbm>>
    %dma_wait3A_533 = arith.constant 0 : i32
    %dma_wait3A_534 = arith.constant 0 : i32
    %dma_wait3A_535 = tpu.memref_slice %arg4[%dma_wait3A_533, %dma_wait3A_534] : memref<819200x32xf32, #tpu.memory_space<hbm>> -> memref<256x32xf32, #tpu.memory_space<hbm>>
    tpu.wait_dma2 semaphore(%arg15 : memref<!tpu.dma_semaphore, #tpu.memory_space<semaphore_mem>>) src(%arg7 : memref<256x32xf32, #tpu.memory_space<vmem>>) dst(%dma_wait3A_535 : memref<256x32xf32, #tpu.memory_space<hbm>>)
    %dma_wait3A_536 = arith.constant 0 : i32
    %dma_wait3A_537 = arith.constant 0 : i32
    %dma_wait3A_538 = tpu.memref_slice %arg4[%dma_wait3A_536, %dma_wait3A_537] : memref<819200x32xf32, #tpu.memory_space<hbm>> -> memref<256x32xf32, #tpu.memory_space<hbm>>
    %dma_wait3A_539 = arith.constant 0 : i32
    %dma_wait3A_540 = arith.constant 0 : i32
    %dma_wait3A_541 = tpu.memref_slice %arg4[%dma_wait3A_539, %dma_wait3A_540] : memref<819200x32xf32, #tpu.memory_space<hbm>> -> memref<256x32xf32, #tpu.memory_space<hbm>>
    tpu.wait_dma2 semaphore(%arg16 : memref<!tpu.dma_semaphore, #tpu.memory_space<semaphore_mem>>) src(%arg8 : memref<256x32xf32, #tpu.memory_space<vmem>>) dst(%dma_wait3A_541 : memref<256x32xf32, #tpu.memory_space<hbm>>)
    %dma_wait3A_542 = arith.constant 0 : i32
    %dma_wait3A_543 = arith.constant 0 : i32
    %dma_wait3A_544 = tpu.memref_slice %arg4[%dma_wait3A_542, %dma_wait3A_543] : memref<819200x32xf32, #tpu.memory_space<hbm>> -> memref<256x32xf32, #tpu.memory_space<hbm>>
    %dma_wait3A_545 = arith.constant 0 : i32
    %dma_wait3A_546 = arith.constant 0 : i32
    %dma_wait3A_547 = tpu.memref_slice %arg4[%dma_wait3A_545, %dma_wait3A_546] : memref<819200x32xf32, #tpu.memory_space<hbm>> -> memref<256x32xf32, #tpu.memory_space<hbm>>
    tpu.wait_dma2 semaphore(%arg17 : memref<!tpu.dma_semaphore, #tpu.memory_space<semaphore_mem>>) src(%arg9 : memref<256x32xf32, #tpu.memory_space<vmem>>) dst(%dma_wait3A_547 : memref<256x32xf32, #tpu.memory_space<hbm>>)
    return
  }
}

</mosaic_0001>

<sc_bundles>
// kernel: kernel.3.cloned.1.call-start
scs
__scs_entry_jumppad:
0x0: {  	(pc) =	sbr.rel $0x88, $3  }
0x1: {  	(tag) =	ssettag $0x0;
	lr =	simm.s32 $0x1  }
0x2: {  	[smem:$0x3F9F] =	sst lr;
	_ =	strace $0xD0000000  }
0x3: {  	_ = 	snop  }
0x4: {  	_ = 	snop  }
0x5: {  	_ = 	snop  }
0x6: {  	_ = 	snop  }
0x7: {  	_ = 	snop  }
__scs_overlays_trampoline_lowered:
0x8: {  	[smem:$0x3FAE] =	sst s0  }
0x9: {  	[smem:$0x3FAF] =	sst s1  }
0xa: {  	[smem:$0x3FB0] =	sst s2  }
0xb: {  	[smem:$0x3FB1] =	sst s3  }
0xc: {  	[smem:$0x3FB2] =	sst s4  }
0xd: {  	[smem:$0x3FB3] =	sst s5  }
0xe: {  	[smem:$0x3FB4] =	sst s6  }
0xf: {  	[smem:$0x3FB5] =	sst s7  }
0x10: {  	[smem:$0x3FB6] =	sst s8  }
0x11: {  	[smem:$0x3FB7] =	sst s9;
	s0 =	simm.s32 @!p0 $0x0  }
0x12: {  	s1 =	sld [smem:$0x3F9D];
	s0 =	simm.s32 @p0 $0x1  }
0x13: {  	[smem:$0x3FB8] =	sst s0;
	s0 =	simm.s32 @!p1 $0x0  }
0x14: {  	s2 =	sld [smem:$0x3F9C];
	s0 =	simm.s32 @p1 $0x1  }
0x15: {  	[smem:$0x3FB9] =	sst s0;
	s0 =	simm.s32 @!p2 $0x0  }
0x16: {  	s3 =	sld [smem:$0x3FDB];
	s0 =	simm.s32 @p2 $0x1  }
0x17: {  	s4 =	simm.s32 $0x1BF5;
	[smem:$0x3FBB] =	sst s0  }
0x18: {  	s0 =	sld [smem:$0x3F9E];
	_ =	swait.ge [sflag:s4], $0x0  }
0x19: {  	s7 =	sld [smem:$0x3F9F]  }
0x1a: {  	s8 =	sadd.s32 $0xFFFFE003, lr  }
0x1b: {  	s9 =	sadd.s32 $0xFFFFFEF7, lr;
	s5 =	simm.s32 $0xFFFFFFFF;
	p2 =	slt.u32 s8, $0xFFFFF086  }
0x1c: {  	p1 =	slt.u32 s9, $0xF7A;
	s5 =	simm.s32 @!p2 $0x0  }
0x1d: {  	s5 =	simm.s32 @p1 $0x1;
	p0 =	seq.s32 s7, s2  }
0x1e: {  	s7 =	smul.u32 @!p0 $0xF7A, s2;
	p2 =	seq.s32 @!p0 s5, $0x0  }
0x1f: {  	s9 =	smul.u32 $0xF7A, s1;
	s8 =	simm.s32 @!p0 $0x1BF5;
	p2 =	por !p2, p0  }
0x20: {  	[sflag:s8] =	ssyncset.s32 @!p0 $0xFFFFF086;
	s6 =	sadd.s32 @!p0 s3, s7;
	s7 =	simm.s32 @!p0 $0x108  }
0x21: {  	s3 =	sadd.s32 s3, s9;
	s6 =	sadd.s32 @!p0 $0x88, s6;
	s7 =	simm.s32 @p2 $0x1082  }
0x22: {  	[simem:s7], [sflag:s8] =	dma.local @!p0 [hbm:s6], $0xF7A  }
0x23: {  	s9 =	sor.u32 $0xD0000000, s2;
	s6 =	simm.s32 $0x108;
	_ =	swait.ge @!p0 [sflag:s8], $0x0  }
0x24: {  	s3 =	sadd.s32 $0x88, s3;
	s6 =	simm.s32 @!p1 $0x1082;
	[sflag:s4] =	ssyncset.s32 $0xFFFFF086  }
0x25: {  	[simem:s6], [sflag:s4] =	dma.local [hbm:s3], $0xF7A  }
0x26: {  	[smem:$0x3F9F] =	sst s1;
	(tag) =	ssettag s2;
	_ =	strace s9  }
0x27: {  	s1 =	sld [smem:$0x3FAF]  }
0x28: {  	s2 =	sld [smem:$0x3FB0]  }
0x29: {  	s4 =	sld [smem:$0x3FB2]  }
0x2a: {  	p0 =	seq.s32 s5, $0x0;
	s5 =	sld [smem:$0x3FB3]  }
0x2b: {  	s6 =	sld [smem:$0x3FB4]  }
0x2c: {  	s7 =	sld [smem:$0x3FB5]  }
0x2d: {  	s3 =	simm.s32 $0x108;
	s8 =	sld [smem:$0x3FB6]  }
0x2e: {  	s3 =	simm.s32 @!p0 $0x1082;
	s9 =	sld [smem:$0x3FB7]  }
0x2f: {  	lr =	sadd.s32 s0, s3;
	s0 =	sld [smem:$0x3FAE]  }
0x30: {  	s3 =	sld [smem:$0x3FB1]  }
0x31: {  	[smem:$0x3FBA] =	sst s10  }
0x32: {  	s10 =	sld [smem:$0x3FB8];
	_ =	sdelay $0x3  }
0x33: {  	p0 =	seq.s32 s10, $0x1;
	s10 =	sld [smem:$0x3FBA];
	_ =	sdelay $0x3  }
0x34: {  	[smem:$0x3FBA] =	sst s10  }
0x35: {  	s10 =	sld [smem:$0x3FB9];
	_ =	sdelay $0x3  }
0x36: {  	p1 =	seq.s32 s10, $0x1;
	s10 =	sld [smem:$0x3FBA];
	_ =	sdelay $0x3  }
0x37: {  	[smem:$0x3FBA] =	sst s10  }
0x38: {  	s10 =	sld [smem:$0x3FBB]  }
0x39: {  	_ = 	snop;
	(pc) =	sbr.ind lr, $3  }
0x3a: {  	_ = 	snop  }
0x3b: {  	_ = 	snop  }
0x3c: {  	p2 =	seq.s32 s10, $0x1;
	s10 =	sld [smem:$0x3FBA]  }
0x3d: {  	_ =	shalt  }
0x3e: {  	_ =	shalt  }
0x3f: {  	_ =	shalt  }
0x40: {  	_ =	shalt  }
0x41: {  	_ =	shalt  }
0x42: {  	_ =	shalt  }
0x43: {  	_ =	shalt  }
0x44: {  	_ =	shalt  }
0x45: {  	_ =	shalt  }
0x46: {  	_ =	shalt  }
0x47: {  	_ =	shalt  }
0x48: {  	_ =	shalt  }
0x49: {  	_ =	shalt  }
0x4a: {  	_ =	shalt  }
0x4b: {  	_ =	shalt  }
0x4c: {  	_ =	shalt  }
0x4d: {  	_ =	shalt  }
0x4e: {  	_ =	shalt  }
0x4f: {  	_ =	shalt  }
0x50: {  	_ =	shalt  }
0x51: {  	_ =	shalt  }
0x52: {  	_ =	shalt  }
0x53: {  	_ =	shalt  }
0x54: {  	_ =	shalt  }
0x55: {  	_ =	shalt  }
0x56: {  	_ =	shalt  }
0x57: {  	_ =	shalt  }
0x58: {  	_ =	shalt  }
0x59: {  	_ =	shalt  }
0x5a: {  	_ =	shalt  }
0x5b: {  	_ =	shalt  }
0x5c: {  	_ =	shalt  }
0x5d: {  	_ =	shalt  }
0x5e: {  	_ =	shalt  }
0x5f: {  	_ =	shalt  }
0x60: {  	_ =	shalt  }
0x61: {  	_ =	shalt  }
0x62: {  	_ =	shalt  }
0x63: {  	_ =	shalt  }
0x64: {  	_ =	shalt  }
0x65: {  	_ =	shalt  }
0x66: {  	_ =	shalt  }
0x67: {  	_ =	shalt  }
0x68: {  	_ =	shalt  }
0x69: {  	_ =	shalt  }
0x6a: {  	_ =	shalt  }
0x6b: {  	_ =	shalt  }
0x6c: {  	_ =	shalt  }
0x6d: {  	_ =	shalt  }
0x6e: {  	_ =	shalt  }
0x6f: {  	_ =	shalt  }
0x70: {  	_ =	shalt  }
0x71: {  	_ =	shalt  }
0x72: {  	_ =	shalt  }
0x73: {  	_ =	shalt  }
0x74: {  	_ =	shalt  }
0x75: {  	_ =	shalt  }
0x76: {  	_ =	shalt  }
0x77: {  	_ =	shalt  }
0x78: {  	_ =	shalt  }
0x79: {  	_ =	shalt  }
0x7a: {  	_ =	shalt  }
0x7b: {  	_ =	shalt  }
0x7c: {  	_ =	shalt  }
0x7d: {  	_ =	shalt  }
0x7e: {  	_ =	shalt  }
0x7f: {  	_ =	shalt  }
0x80: {  	_ =	shalt  }
0x81: {  	_ =	shalt  }
0x82: {  	_ =	shalt  }
0x83: {  	_ =	shalt  }
0x84: {  	_ =	shalt  }
0x85: {  	_ =	shalt  }
0x86: {  	_ =	shalt  }
0x87: {  	_ =	shalt  }
.Lfunc_end0:
.L_simem_size_0:
called_computation.1_lowered:
.L_overlay_start_0:
0x88: {  	s2 =	sld [smem:$0x3FD9]  }
0x89: {  	s3 =	sld [smem:$0x3FFE];
	_ =	sdelay $0x1  }
0x8a: {  	s1 =	srdreg.scid  }
0x8b: {  	s0 =	sand.u32 $0x1, s1  }
0x8c: {  	s17 =	sshll.u32 s0, $0xA;
	s2 =	sadd.s32 s3, s2  }
0x8d: {  	s2 =	sadd.s32 s2, s17  }
0x8e: {  	[smem:$0x3FC6] =	sst s2  }
0x8f: {  	_ = 	snop  }
0x90: {  	s2 =	sld [smem:$0x3FD0];
	(tm) =	ssettm $0x1  }
0x91: {  	s18 =	sld [smem:$0x3FFB];
	_ =	sdelay $0x3  }
0x92: {  	_ =	strace s18  }
0x93: {  	s3 =	sld [smem:$0x3FFC];
	_ =	sdelay $0x3  }
0x94: {  	_ =	strace s3  }
0x95: {  	s3 =	sld [smem:$0x3FFD];
	_ =	sdelay $0x3  }
0x96: {  	_ =	strace s3  }
0x97: {  	_ =	strace $0x8FFFFFFF  }
0x98: {  	s19 =	sld [smem:$0x3FDB];
	_ =	sdelay $0x1  }
0x99: {  	s4 =	simm.s32 $_scs_section_size  }
0x9a: {  	s5 =	simm.s32 $_size__tile_overlayer_lowered;
	s6 =	simm.s32 $_tile_overlayer_lowered  }
0x9b: {  	s22 =	simm.s32 $0x1BFF;
	s21 =	sshll.u32 s6, $0x1;
	s3 =	sadd.s32 s4, s19  }
0x9c: {  	s7 =	simm.s32 $0x0;
	s20 =	sshll.u32 s5, $0x1;
	s5 =	sadd.s32 s21, s3  }
0x9d: {  	[timem:s7], [sflag:s22] =	dma.local [hbm:s5], s20  }
0x9e: {  	_ =	swait.ge [sflag:s22], s20  }
0x9f: {  	s4 =	ssub.s32 $0x0, s20;
	[sflag:s22] =	ssyncset.done $0x0  }
0xa0: {  	[sflag:s22] =	ssyncadd.s32 s4;
	_ =	sdelay $0x1  }
0xa1: {  	s23 =	simm.s32 $0x1B8B  }
0xa2: {  	_ =	swait.ge [sflag:s23], $0x1  }
0xa3: {  	[sflag:s23] =	ssyncset.done $0x0  }
0xa4: {  	s25 =	simm.s32 $0x1B8E;
	s24 =	sld [smem:$0x3FFE];
	[sflag:s23] =	ssyncadd.s32 $0xFFFFFFFF  }
0xa5: {  	s26 =	simm.s32 $execute0_lowered;
	[smem:$0x3FD2] =	sst s25  }
0xa6: {  	s5 =	sshll.u32 s26, $0x1;
	_ =	strace $0x80000046;
	[dreg:$0x1] =	wrdreg $0xFFFFFFFF  }
0xa7: {  	s28 =	simm.s32 $_size_execute0_lowered;
	s3 =	sadd.s32 s3, s5;
	[dreg:$0x0] =	wrdreg $0x0  }
0xa8: {  	s5 =	sshll.u32 s28, $0x1;
	[dreg:$0x2] =	wrdreg s3  }
0xa9: {  	[dreg:$0x3] =	wrdreg s5  }
0xaa: {  	[dreg:$0x4] =	wrdreg $0xC0  }
0xab: {  	_ =	task [dreg:s7], $0x5FFFF  }
0xac: {  	[dreg:$0x1] =	wrdreg $0xFFFFFFFF  }
0xad: {  	[dreg:$0x0] =	wrdreg $0x60  }
0xae: {  	[dreg:$0x2] =	wrdreg s24  }
0xaf: {  	[dreg:$0x3] =	wrdreg s2  }
0xb0: {  	[dreg:$0x4] =	wrdreg $0x9  }
0xb1: {  	_ =	task.clear_ibuf [dreg:s7], $0x5FFFF;
	_ =	strace $0x90000046  }
0xb2: {  	s29 =	simm.s32 $0x9;
	_ =	strace $0x80000048  }
0xb3: {  	_ =	swait.ge [sflag:s29], $0x1  }
0xb4: {  	[sflag:s29] =	ssyncadd.s32 $0xFFFFFFFF  }
0xb5: {  	_ =	strace $0x90000048  }
0xb6: {  	_ =	sfence  }
0xb7: {  	s30 =	sld [smem:$0x0];
	_ =	sdelay $0x2  }
0xb8: {  	s31 =	sshll.u32 s1, $0xD;
	s1 =	sshrl.u32 s1, $0x2  }
0xb9: {  	s3 =	sand.u32 $0x4000, s31;
	s1 =	sadd.s32 s1, s30  }
0xba: {  	s0 =	sor.u32 s3, s0;
	s1 =	sshll.u32 s1, $0x11  }
0xbb: {  	s0 =	sor.u32 s1, s0  }
0xbc: {  	s0 =	sadd.s32 $0x8F2B, s0  }
0xbd: {  	[sflag:s0] =	ssyncadd.remote.s32 $0x1  }
0xbe: {  	_ =	sfence.sel $0xFFFF  }
0xbf: {  	[dreg:$0x0] =	wrdreg $0xFFFFFFFF;
	(pc) =	sbr.abs _section_cstart, $3  }
0xc0: {  	[dreg:$0x1] =	wrdreg $0xFFFFFFFF  }
0xc1: {  	_ =	task.clear_ibuf [dreg:s7], $0x2FFFF;
	_ =	strace $0x9FFFFFFF  }
0xc2: {  	(tm) =	ssettm $0x7FFFFFFF  }
0xc3: {  	_ =	shalt  }
tec
execute0_lowered:
.L_overlay_start_1:
0x0: {  	(tag) =	ssettag $0x1  }
0x1: {  	s0 =	rddreg [dreg:$0x0]  }
0x2: {  	s1 =	rddreg [dreg:$0x1];
	s2 =	simm.s32 $0x0;
	s3 =	srdreg.scid  }
0x3: {  	s13 =	stileid.u32;
	s29 =	simm.s32 $0x100;
	s30 =	simm.s32 $0xA  }
0x4: {  	s31 =	simm.s32 $0x2400;
	[smem:$0x7FF] =	sst s2;
	s4 =	sand.u32 $0x1, s3  }
0x5: {  	s14 =	sshll.u32 s13, $0x1;
	s3 =	sadd.s32 $0xF42E00, s0;
	s0 =	sadd.s32 $0xA00, s0  }
0x6: {  	s24 =	sshll.u32 s13, $0xB;
	_ =	strace $0x80000047;
	s5 =	ssub.s32 $0x2, s4  }
0x7: {  	s6 =	sor.u32 s4, s14;
	s26 =	sadd.s32 s24, s1;
	s28 =	sshll.u32 s4, $0xA  }
0x8: {  	s4 =	sshll.u32 s4, $0x5;
	s7 =	sshrl.u32 s5, $0x1;
	s8 =	sshll.u32 s6, $0x8  }
0x9: {  	s9 =	sshll.u32 s6, $0x5;
	s6 =	sshll.u32 s6, $0xA;
	s5 =	ssub.s32 s5, s7  }
0xa: {  	s15 =	sor.u32 $0x2000, s8;
	s11 =	sor.u32 $0x4000, s8;
	s12 =	sadd.s32 s0, s9  }
0xb: {  	s14 =	sadd.s32 s1, s6;
	s22 =	sor.u32 $0xC2000, s8;
	s25 =	sor.u32 $0xC4000, s8  }
0xc: {  	s8 =	sor.u32 $0xC6000, s8;
	s10 =	sshrl.u32 s15, $0x3;
	s17 =	sshrl.u32 s11, $0x3  }
0xd: {  	s7 =	sshll.u32 s15, $0x2;
	s18 =	sadd.s32 $0xC00, s12;
	[dreg:$0x7] =	wrdreg s12  }
0xe: {  	s20 =	sadd.s32 $0x1000, s12;
	s21 =	sshll.u32 s11, $0x2;
	[dreg:$0xa] =	wrdreg s14  }
0xf: {  	s23 =	sshrl.u32 s22, $0x3;
	s11 =	sadd.s32 s28, s26;
	[dreg:$0xb] =	wrdreg s18  }
0x10: {  	s15 =	sadd.s32 $0x2F8000, s14;
	s5 =	smax.u32 s5, $0x1;
	[dreg:$0xd] =	wrdreg s20  }
0x11: {  	s12 =	simm.s32 $0x300;
	s16 =	sadd.s32 s0, s10;
	[dreg:$0x10] =	wrdreg s15  }
0x12: {  	s9 =	sadd.s32 s0, s17;
	s19 =	sadd.s32 s1, s7;
	[dreg:$0x17] =	wrdreg s5  }
0x13: {  	s6 =	sadd.s32 s1, s21;
	s17 =	sadd.s32 $0x20000, s11;
	[dreg:$0x8] =	wrdreg s16  }
0x14: {  	s18 =	sadd.s32 $0x300000, s14;
	s7 =	sshll.u32 s22, $0x2;
	[dreg:$0x9] =	wrdreg s9  }
0x15: {  	s10 =	sshll.u32 s25, $0x2;
	s21 =	sshll.u32 s8, $0x2;
	[dreg:$0xc] =	wrdreg s19  }
0x16: {  	s22 =	sor.u32 s28, s24;
	s14 =	simm.s32 $0xC;
	[dreg:$0xe] =	wrdreg s6  }
0x17: {  	s15 =	simm.s32 $0x7400;
	s6 =	sadd.s32 s0, s23;
	[dreg:$0x12] =	wrdreg s18  }
0x18: {  	s16 =	sshrl.u32 s25, $0x3;
	[dreg:$0x3] =	wrdreg s17;
	s19 =	sshrl.u32 s8, $0x3  }
0x19: {  	s7 =	sadd.s32 s1, s7;
	s20 =	sadd.s32 s1, s10;
	s23 =	sshll.u32 s13, $0x6  }
0x1a: {  	s8 =	simm.s32 $0xB;
	s9 =	simm.s32 $0x4400;
	[dreg:$0xf] =	wrdreg s6  }
0x1b: {  	s13 =	simm.s32 $0x2;
	s17 =	simm.s32 $0x5;
	[dreg:$0x13] =	wrdreg s7  }
0x1c: {  	s18 =	simm.s32 $0x4;
	s6 =	sadd.s32 s0, s16;
	[dreg:$0x14] =	wrdreg s20  }
0x1d: {  	s7 =	sadd.s32 s1, s21;
	s1 =	sadd.s32 s22, s1;
	s24 =	sadd.s32 s23, s0  }
0x1e: {  	s16 =	simm.s32 $0x3;
	s20 =	simm.s32 $0x7;
	[dreg:$0x11] =	wrdreg s6  }
0x1f: {  	s22 =	simm.s32 $0x8;
	[dreg:$0x15] =	wrdreg s7;
	s6 =	sadd.s32 s0, s19  }
0x20: {  	s25 =	sadd.s32 s4, s24;
	s4 =	sor.u32 s4, s23;
	s26 =	sadd.s32 $0x18000, s1  }
0x21: {  	s28 =	sadd.s32 $0x30000, s1;
	s1 =	sadd.s32 $0x28000, s1;
	[dreg:$0x16] =	wrdreg s6  }
0x22: {  	s24 =	simm.s32 $0x9;
	s19 =	simm.s32 $0x6;
	[dreg:$0x4] =	wrdreg s26  }
0x23: {  	s5 =	sadd.s32 $0x2000, s25;
	s0 =	sadd.s32 s4, s0;
	[dreg:$0x5] =	wrdreg s28  }
0x24: {  	[dreg:$0x6] =	wrdreg s1;
	s25 =	simm.s32 $0x80;
	s26 =	simm.s32 $0x400  }
0x25: {  	s6 =	simm.s32 $0x1;
	[dreg:$0x18] =	wrdreg s5;
	s4 =	sadd.s32 $0x1800, s0  }
0x26: {  	s1 =	simm.s32 $0x0;
	s0 =	sadd.s32 $0x1400, s0;
	[dreg:$0x19] =	wrdreg s4  }
0x27: {  	s5 =	simm.s32 $0x200;
	[dreg:$0x1a] =	wrdreg s0;
	s4 =	simm.s32 $0x6400  }
.LBB2_1:
0x28: {  	[dreg:$0x1b] =	wrdreg s1  }
0x29: {  	s0 =	rddreg [dreg:$0x7]  }
0x2a: {  	[tilespmem:s2], [sflag:$0x9] =	stream.linear.gather [hbm4b:s0+s2], $0x100, $0x38;
	[tilespmem:$0x8400] =	vst v63  }
0x2b: {  	_ =	swait.ge [sflag:s24], $0x100  }
0x2c: {  	[sflag:s24] =	ssyncset.done $0x0  }
0x2d: {  	[sflag:s24] =	ssyncadd.s32 $0xFFFFFF00  }
0x2e: {  	[tilespmem:s26], [sflag:$0x1] =	stream.indirect.gather [hbm4b:s3+s25], $0x20, s2, s25, $0xb8;
	[tilespmem:$0x8400] =	vst v63  }
0x2f: {  	s1 =	simm.s32 $0x1400  }
0x30: {  	[tilespmem:s1], [sflag:$0x1] =	stream.indirect.gather [hbm4b:s3+s25], $0x20, s25, s25, $0xb8;
	[tilespmem:$0x8400] =	vst v63  }
0x31: {  	s21 =	rddreg [dreg:$0x8]  }
0x32: {  	[tilespmem:s29], [sflag:$0xA] =	stream.linear.gather [hbm4b:s21+s2], $0x100, $0x38;
	[tilespmem:$0x8400] =	vst v63  }
0x33: {  	_ =	swait.ge [sflag:s30], $0x100  }
0x34: {  	[sflag:s30] =	ssyncset.done $0x0  }
0x35: {  	[sflag:s30] =	ssyncadd.s32 $0xFFFFFF00  }
0x36: {  	[tilespmem:s31], [sflag:$0x2] =	stream.indirect.gather [hbm4b:s3+s25], $0x20, s29, s25, $0xb8;
	[tilespmem:$0x8400] =	vst v63  }
0x37: {  	s10 =	simm.s32 $0x180;
	s21 =	simm.s32 $0x3400  }
0x38: {  	[tilespmem:s21], [sflag:$0x2] =	stream.indirect.gather [hbm4b:s3+s25], $0x20, s10, s25, $0xb8;
	[tilespmem:$0x8400] =	vst v63  }
0x39: {  	s23 =	rddreg [dreg:$0x9]  }
0x3a: {  	[tilespmem:s5], [sflag:$0xB] =	stream.linear.gather [hbm4b:s23+s2], $0x100, $0x38;
	[tilespmem:$0x8400] =	vst v63  }
0x3b: {  	_ =	swait.ge [sflag:s6], $0x2000  }
0x3c: {  	[sflag:s6] =	ssyncset.done $0x0  }
0x3d: {  	s7 =	rddreg [dreg:$0xa];
	[sflag:s6] =	ssyncadd.s32 $0xFFFFE000  }
0x3e: {  	[hbm4b:s7+s2] =	stream.linear.scatter [tilespmem:s26], [sflag:$0x5], $0x2000, $0x38;
	[tilespmem:$0x8400] =	vst v63  }
0x3f: {  	_ =	swait.ge [sflag:s8], $0x100  }
0x40: {  	[sflag:s8] =	ssyncset.done $0x0  }
0x41: {  	[sflag:s8] =	ssyncadd.s32 $0xFFFFFF00  }
0x42: {  	[tilespmem:s9], [sflag:$0x3] =	stream.indirect.gather [hbm4b:s3+s25], $0x20, s5, s25, $0xb8;
	[tilespmem:$0x8400] =	vst v63  }
0x43: {  	s28 =	simm.s32 $0x5400;
	s23 =	simm.s32 $0x280  }
0x44: {  	[tilespmem:s28], [sflag:$0x3] =	stream.indirect.gather [hbm4b:s3+s25], $0x20, s23, s25, $0xb8;
	[tilespmem:$0x8400] =	vst v63  }
0x45: {  	s11 =	rddreg [dreg:$0xb]  }
0x46: {  	[tilespmem:s12], [sflag:$0xC] =	stream.linear.gather [hbm4b:s11+s2], $0x100, $0x38;
	[tilespmem:$0x8400] =	vst v63  }
0x47: {  	_ =	swait.ge [sflag:s13], $0x2000  }
0x48: {  	[sflag:s13] =	ssyncset.done $0x0  }
0x49: {  	s7 =	rddreg [dreg:$0xc];
	[sflag:s13] =	ssyncadd.s32 $0xFFFFE000  }
0x4a: {  	[hbm4b:s7+s2] =	stream.linear.scatter [tilespmem:s31], [sflag:$0x6], $0x2000, $0x38;
	[tilespmem:$0x8400] =	vst v63  }
0x4b: {  	_ =	swait.ge [sflag:s14], $0x100  }
0x4c: {  	[sflag:s14] =	ssyncset.done $0x0  }
0x4d: {  	[sflag:s14] =	ssyncadd.s32 $0xFFFFFF00  }
0x4e: {  	[tilespmem:s4], [sflag:$0x4] =	stream.indirect.gather [hbm4b:s3+s25], $0x20, s12, s25, $0xb8;
	[tilespmem:$0x8400] =	vst v63  }
0x4f: {  	s11 =	simm.s32 $0x380;
	s7 =	simm.s32 $0x7400  }
0x50: {  	[tilespmem:s7], [sflag:$0x4] =	stream.indirect.gather [hbm4b:s3+s25], $0x20, s11, s25, $0xb8;
	[tilespmem:$0x8400] =	vst v63  }
0x51: {  	s11 =	rddreg [dreg:$0xd]  }
0x52: {  	[tilespmem:s2], [sflag:$0x9] =	stream.linear.gather [hbm4b:s11+s2], $0x100, $0x38;
	[tilespmem:$0x8400] =	vst v63  }
0x53: {  	_ =	swait.ge [sflag:s16], $0x2000  }
0x54: {  	[sflag:s16] =	ssyncset.done $0x0  }
0x55: {  	s7 =	rddreg [dreg:$0xe];
	[sflag:s16] =	ssyncadd.s32 $0xFFFFE000  }
0x56: {  	[hbm4b:s7+s2] =	stream.linear.scatter [tilespmem:s9], [sflag:$0x7], $0x2000, $0x38;
	[tilespmem:$0x8400] =	vst v63  }
0x57: {  	_ =	swait.ge [sflag:s17], $0x2000  }
0x58: {  	[sflag:s17] =	ssyncset.done $0x0  }
0x59: {  	[sflag:s17] =	ssyncadd.s32 $0xFFFFE000  }
0x5a: {  	_ =	swait.ge [sflag:s24], $0x100  }
0x5b: {  	[sflag:s24] =	ssyncset.done $0x0  }
0x5c: {  	[sflag:s24] =	ssyncadd.s32 $0xFFFFFF00  }
0x5d: {  	[tilespmem:s26], [sflag:$0x1] =	stream.indirect.gather [hbm4b:s3+s25], $0x20, s2, s25, $0xb8;
	[tilespmem:$0x8400] =	vst v63  }
0x5e: {  	_ = 	snop  }
0x5f: {  	[tilespmem:s1], [sflag:$0x1] =	stream.indirect.gather [hbm4b:s3+s25], $0x20, s25, s25, $0xb8;
	[tilespmem:$0x8400] =	vst v63  }
0x60: {  	s1 =	rddreg [dreg:$0x1a]  }
0x61: {  	[tilespmem:s29], [sflag:$0xA] =	stream.linear.gather [hbm4b:s1+s2], $0x100, $0x38;
	[tilespmem:$0x8400] =	vst v63  }
0x62: {  	_ =	swait.ge [sflag:s18], $0x2000  }
0x63: {  	s11 =	rddreg [dreg:$0x4];
	[sflag:s18] =	ssyncset.done $0x0  }
0x64: {  	[sflag:s18] =	ssyncadd.s32 $0xFFFFE000;
	s0 =	sadd.s32 $0x0, s11  }
0x65: {  	[hbm4b:s0+s2] =	stream.linear.scatter [tilespmem:s4], [sflag:$0x8], $0x2000, $0x38;
	[tilespmem:$0x8400] =	vst v63  }
0x66: {  	_ =	swait.ge [sflag:s19], $0x2000  }
0x67: {  	[sflag:s19] =	ssyncset.done $0x0  }
0x68: {  	[sflag:s19] =	ssyncadd.s32 $0xFFFFE000  }
0x69: {  	_ =	swait.ge [sflag:s30], $0x100  }
0x6a: {  	[sflag:s30] =	ssyncset.done $0x0  }
0x6b: {  	[sflag:s30] =	ssyncadd.s32 $0xFFFFFF00  }
0x6c: {  	[tilespmem:s31], [sflag:$0x2] =	stream.indirect.gather [hbm4b:s3+s25], $0x20, s29, s25, $0xb8;
	[tilespmem:$0x8400] =	vst v63  }
0x6d: {  	_ = 	snop  }
0x6e: {  	[tilespmem:s21], [sflag:$0x2] =	stream.indirect.gather [hbm4b:s3+s25], $0x20, s10, s25, $0xb8;
	[tilespmem:$0x8400] =	vst v63  }
0x6f: {  	s11 =	rddreg [dreg:$0x19]  }
0x70: {  	[tilespmem:s5], [sflag:$0xB] =	stream.linear.gather [hbm4b:s11+s2], $0x100, $0x38;
	[tilespmem:$0x8400] =	vst v63  }
0x71: {  	_ =	swait.ge [sflag:s6], $0x2000  }
0x72: {  	s21 =	rddreg [dreg:$0x3];
	[sflag:s6] =	ssyncset.done $0x0  }
0x73: {  	[sflag:s6] =	ssyncadd.s32 $0xFFFFE000;
	s0 =	sadd.s32 $0x0, s21  }
0x74: {  	[hbm4b:s0+s2] =	stream.linear.scatter [tilespmem:s26], [sflag:$0x5], $0x2000, $0x38;
	[tilespmem:$0x8400] =	vst v63  }
0x75: {  	_ =	swait.ge [sflag:s20], $0x2000  }
0x76: {  	[sflag:s20] =	ssyncset.done $0x0  }
0x77: {  	[sflag:s20] =	ssyncadd.s32 $0xFFFFE000  }
0x78: {  	_ =	swait.ge [sflag:s8], $0x100  }
0x79: {  	[sflag:s8] =	ssyncset.done $0x0  }
0x7a: {  	[sflag:s8] =	ssyncadd.s32 $0xFFFFFF00  }
0x7b: {  	[tilespmem:s9], [sflag:$0x3] =	stream.indirect.gather [hbm4b:s3+s25], $0x20, s5, s25, $0xb8;
	[tilespmem:$0x8400] =	vst v63  }
0x7c: {  	s10 =	rddreg [dreg:$0x18]  }
0x7d: {  	[tilespmem:s28], [sflag:$0x3] =	stream.indirect.gather [hbm4b:s3+s25], $0x20, s23, s25, $0xb8;
	[tilespmem:$0x8400] =	vst v63  }
0x7e: {  	s23 =	sadd.s32 $0xFFFFFC00, s10  }
0x7f: {  	[tilespmem:s12], [sflag:$0xC] =	stream.linear.gather [hbm4b:s23+s2], $0x100, $0x38;
	[tilespmem:$0x8400] =	vst v63  }
0x80: {  	_ =	swait.ge [sflag:s13], $0x2000  }
0x81: {  	s7 =	rddreg [dreg:$0x6];
	[sflag:s13] =	ssyncset.done $0x0  }
0x82: {  	[sflag:s13] =	ssyncadd.s32 $0xFFFFE000;
	s0 =	sadd.s32 $0x0, s7  }
0x83: {  	[hbm4b:s0+s2] =	stream.linear.scatter [tilespmem:s31], [sflag:$0x6], $0x2000, $0x38;
	[tilespmem:$0x8400] =	vst v63  }
0x84: {  	_ =	swait.ge [sflag:s22], $0x2000  }
0x85: {  	[sflag:s22] =	ssyncset.done $0x0  }
0x86: {  	[sflag:s22] =	ssyncadd.s32 $0xFFFFE000  }
0x87: {  	_ =	swait.ge [sflag:s14], $0x100  }
0x88: {  	[sflag:s14] =	ssyncset.done $0x0  }
0x89: {  	[sflag:s14] =	ssyncadd.s32 $0xFFFFFF00  }
0x8a: {  	[tilespmem:s4], [sflag:$0x4] =	stream.indirect.gather [hbm4b:s3+s25], $0x20, s12, s25, $0xb8;
	[tilespmem:$0x8400] =	vst v63  }
0x8b: {  	s21 =	simm.s32 $0x380;
	s23 =	simm.s32 $0x7400  }
0x8c: {  	[tilespmem:s23], [sflag:$0x4] =	stream.indirect.gather [hbm4b:s3+s25], $0x20, s21, s25, $0xb8;
	[tilespmem:$0x8400] =	vst v63  }
0x8d: {  	s28 =	sadd.s32 $0x1000, s10  }
0x8e: {  	[tilespmem:s2], [sflag:$0x9] =	stream.linear.gather [hbm4b:s10+s2], $0x100, $0x38;
	[tilespmem:$0x8400] =	vst v63  }
0x8f: {  	s7 =	simm.s32 $0x380;
	s21 =	simm.s32 $0x20000;
	_ =	swait.ge [sflag:s16], $0x2000  }
0x90: {  	s23 =	sadd.s32 $0x1000, s1;
	s0 =	rddreg [dreg:$0x5];
	[sflag:s16] =	ssyncset.done $0x0  }
0x91: {  	[sflag:s16] =	ssyncadd.s32 $0xFFFFE000;
	s1 =	sadd.s32 $0x0, s0;
	s0 =	sadd.s32 $0x1000, s11  }
.LBB2_2:
0x92: {  	[hbm4b:s1+s2] =	stream.linear.scatter [tilespmem:s9], [sflag:$0x7], $0x2000, $0x38;
	[tilespmem:$0x8400] =	vst v63  }
0x93: {  	_ =	swait.ge [sflag:s17], $0x2000  }
0x94: {  	[sflag:s17] =	ssyncset.done $0x0  }
0x95: {  	[sflag:s17] =	ssyncadd.s32 $0xFFFFE000  }
0x96: {  	_ =	swait.ge [sflag:s24], $0x100  }
0x97: {  	[sflag:s24] =	ssyncset.done $0x0  }
0x98: {  	[sflag:s24] =	ssyncadd.s32 $0xFFFFFF00  }
0x99: {  	[tilespmem:s26], [sflag:$0x1] =	stream.indirect.gather [hbm4b:s3+s25], $0x20, s2, s25, $0xb8;
	[tilespmem:$0x8400] =	vst v63  }
0x9a: {  	s10 =	simm.s32 $0x1400  }
0x9b: {  	[tilespmem:s10], [sflag:$0x1] =	stream.indirect.gather [hbm4b:s3+s25], $0x20, s25, s25, $0xb8;
	[tilespmem:$0x8400] =	vst v63  }
0x9c: {  	_ = 	snop  }
0x9d: {  	[tilespmem:s29], [sflag:$0xA] =	stream.linear.gather [hbm4b:s23+s2], $0x100, $0x38;
	[tilespmem:$0x8400] =	vst v63  }
0x9e: {  	_ =	swait.ge [sflag:s18], $0x2000  }
0x9f: {  	s1 =	smov.u32 s21;
	s11 =	rddreg [dreg:$0x4];
	[sflag:s18] =	ssyncset.done $0x0  }
0xa0: {  	[sflag:s18] =	ssyncadd.s32 $0xFFFFE000;
	s10 =	sadd.s32 s1, s11  }
0xa1: {  	[hbm4b:s10+s2] =	stream.linear.scatter [tilespmem:s4], [sflag:$0x8], $0x2000, $0x38;
	[tilespmem:$0x8400] =	vst v63  }
0xa2: {  	_ =	swait.ge [sflag:s19], $0x2000  }
0xa3: {  	[sflag:s19] =	ssyncset.done $0x0  }
0xa4: {  	[sflag:s19] =	ssyncadd.s32 $0xFFFFE000  }
0xa5: {  	_ =	swait.ge [sflag:s30], $0x100  }
0xa6: {  	[sflag:s30] =	ssyncset.done $0x0  }
0xa7: {  	[sflag:s30] =	ssyncadd.s32 $0xFFFFFF00  }
0xa8: {  	[tilespmem:s31], [sflag:$0x2] =	stream.indirect.gather [hbm4b:s3+s25], $0x20, s29, s25, $0xb8;
	[tilespmem:$0x8400] =	vst v63  }
0xa9: {  	s11 =	simm.s32 $0x3400;
	s10 =	simm.s32 $0x180  }
0xaa: {  	[tilespmem:s11], [sflag:$0x2] =	stream.indirect.gather [hbm4b:s3+s25], $0x20, s10, s25, $0xb8;
	[tilespmem:$0x8400] =	vst v63  }
0xab: {  	_ = 	snop  }
0xac: {  	[tilespmem:s5], [sflag:$0xB] =	stream.linear.gather [hbm4b:s0+s2], $0x100, $0x38;
	[tilespmem:$0x8400] =	vst v63  }
0xad: {  	_ =	swait.ge [sflag:s6], $0x2000  }
0xae: {  	s11 =	rddreg [dreg:$0x3];
	[sflag:s6] =	ssyncset.done $0x0  }
0xaf: {  	[sflag:s6] =	ssyncadd.s32 $0xFFFFE000;
	s10 =	sadd.s32 s1, s11  }
0xb0: {  	[hbm4b:s10+s2] =	stream.linear.scatter [tilespmem:s26], [sflag:$0x5], $0x2000, $0x38;
	[tilespmem:$0x8400] =	vst v63  }
0xb1: {  	_ =	swait.ge [sflag:s20], $0x2000  }
0xb2: {  	[sflag:s20] =	ssyncset.done $0x0  }
0xb3: {  	[sflag:s20] =	ssyncadd.s32 $0xFFFFE000  }
0xb4: {  	_ =	swait.ge [sflag:s8], $0x100  }
0xb5: {  	[sflag:s8] =	ssyncset.done $0x0  }
0xb6: {  	[sflag:s8] =	ssyncadd.s32 $0xFFFFFF00  }
0xb7: {  	[tilespmem:s9], [sflag:$0x3] =	stream.indirect.gather [hbm4b:s3+s25], $0x20, s5, s25, $0xb8;
	[tilespmem:$0x8400] =	vst v63  }
0xb8: {  	s11 =	simm.s32 $0x5400;
	s10 =	simm.s32 $0x280  }
0xb9: {  	[tilespmem:s11], [sflag:$0x3] =	stream.indirect.gather [hbm4b:s3+s25], $0x20, s10, s25, $0xb8;
	[tilespmem:$0x8400] =	vst v63  }
0xba: {  	s11 =	sadd.s32 $0xFFFFFC00, s28  }
0xbb: {  	[tilespmem:s12], [sflag:$0xC] =	stream.linear.gather [hbm4b:s11+s2], $0x100, $0x38;
	[tilespmem:$0x8400] =	vst v63  }
0xbc: {  	_ =	swait.ge [sflag:s13], $0x2000  }
0xbd: {  	s11 =	rddreg [dreg:$0x6];
	[sflag:s13] =	ssyncset.done $0x0  }
0xbe: {  	[sflag:s13] =	ssyncadd.s32 $0xFFFFE000;
	s10 =	sadd.s32 s1, s11  }
0xbf: {  	[hbm4b:s10+s2] =	stream.linear.scatter [tilespmem:s31], [sflag:$0x6], $0x2000, $0x38;
	[tilespmem:$0x8400] =	vst v63  }
0xc0: {  	_ =	swait.ge [sflag:s22], $0x2000  }
0xc1: {  	[sflag:s22] =	ssyncset.done $0x0  }
0xc2: {  	[sflag:s22] =	ssyncadd.s32 $0xFFFFE000  }
0xc3: {  	_ =	swait.ge [sflag:s14], $0x100  }
0xc4: {  	[sflag:s14] =	ssyncset.done $0x0  }
0xc5: {  	[sflag:s14] =	ssyncadd.s32 $0xFFFFFF00  }
0xc6: {  	[tilespmem:s4], [sflag:$0x4] =	stream.indirect.gather [hbm4b:s3+s25], $0x20, s12, s25, $0xb8;
	[tilespmem:$0x8400] =	vst v63  }
0xc7: {  	p0 =	sne.s32 s21, $0x2C0000  }
0xc8: {  	[tilespmem:s15], [sflag:$0x4] =	stream.indirect.gather [hbm4b:s3+s25], $0x20, s7, s25, $0xb8;
	[tilespmem:$0x8400] =	vst v63  }
.Ltmp0:
0xc9: {  	_ = 	snop;
	(pc) =	sbr.rel @p0 .LBB2_2-.Ltmp0, $4  }
0xca: {  	[tilespmem:s2], [sflag:$0x9] =	stream.linear.gather [hbm4b:s28+s2], $0x100, $0x38;
	[tilespmem:$0x8400] =	vst v63  }
0xcb: {  	s21 =	sadd.s32 $0x20000, s21;
	s23 =	sadd.s32 $0x1000, s23;
	_ =	swait.ge [sflag:s16], $0x2000  }
0xcc: {  	s0 =	sadd.s32 $0x1000, s0;
	[sflag:s16] =	ssyncset.done $0x0;
	s11 =	rddreg [dreg:$0x5]  }
0xcd: {  	s28 =	sadd.s32 $0x1000, s28;
	[sflag:s16] =	ssyncadd.s32 $0xFFFFE000;
	s1 =	sadd.s32 s1, s11  }
0xce: {  	[hbm4b:s1+s2] =	stream.linear.scatter [tilespmem:s9], [sflag:$0x7], $0x2000, $0x38;
	[tilespmem:$0x8400] =	vst v63  }
0xcf: {  	_ =	swait.ge [sflag:s17], $0x2000  }
0xd0: {  	[sflag:s17] =	ssyncset.done $0x0  }
0xd1: {  	[sflag:s17] =	ssyncadd.s32 $0xFFFFE000  }
0xd2: {  	_ =	swait.ge [sflag:s24], $0x100  }
0xd3: {  	[sflag:s24] =	ssyncset.done $0x0  }
0xd4: {  	[sflag:s24] =	ssyncadd.s32 $0xFFFFFF00  }
0xd5: {  	[tilespmem:s26], [sflag:$0x1] =	stream.indirect.gather [hbm4b:s3+s25], $0x20, s2, s25, $0xb8;
	[tilespmem:$0x8400] =	vst v63  }
0xd6: {  	s0 =	simm.s32 $0x1400  }
0xd7: {  	[tilespmem:s0], [sflag:$0x1] =	stream.indirect.gather [hbm4b:s3+s25], $0x20, s25, s25, $0xb8;
	[tilespmem:$0x8400] =	vst v63  }
0xd8: {  	s23 =	rddreg [dreg:$0xf]  }
0xd9: {  	[tilespmem:s29], [sflag:$0xA] =	stream.linear.gather [hbm4b:s23+s2], $0x100, $0x38;
	[tilespmem:$0x8400] =	vst v63  }
0xda: {  	_ =	swait.ge [sflag:s18], $0x2000  }
0xdb: {  	[sflag:s18] =	ssyncset.done $0x0  }
0xdc: {  	s28 =	rddreg [dreg:$0x10];
	[sflag:s18] =	ssyncadd.s32 $0xFFFFE000  }
0xdd: {  	[hbm4b:s28+s2] =	stream.linear.scatter [tilespmem:s4], [sflag:$0x8], $0x2000, $0x38;
	[tilespmem:$0x8400] =	vst v63  }
0xde: {  	_ =	swait.ge [sflag:s19], $0x2000  }
0xdf: {  	[sflag:s19] =	ssyncset.done $0x0  }
0xe0: {  	[sflag:s19] =	ssyncadd.s32 $0xFFFFE000  }
0xe1: {  	_ =	swait.ge [sflag:s30], $0x100  }
0xe2: {  	[sflag:s30] =	ssyncset.done $0x0  }
0xe3: {  	[sflag:s30] =	ssyncadd.s32 $0xFFFFFF00  }
0xe4: {  	[tilespmem:s31], [sflag:$0x2] =	stream.indirect.gather [hbm4b:s3+s25], $0x20, s29, s25, $0xb8;
	[tilespmem:$0x8400] =	vst v63  }
0xe5: {  	s1 =	simm.s32 $0x180;
	s10 =	simm.s32 $0x3400  }
0xe6: {  	[tilespmem:s10], [sflag:$0x2] =	stream.indirect.gather [hbm4b:s3+s25], $0x20, s1, s25, $0xb8;
	[tilespmem:$0x8400] =	vst v63  }
0xe7: {  	s11 =	rddreg [dreg:$0x11]  }
0xe8: {  	[tilespmem:s5], [sflag:$0xB] =	stream.linear.gather [hbm4b:s11+s2], $0x100, $0x38;
	[tilespmem:$0x8400] =	vst v63  }
0xe9: {  	_ =	swait.ge [sflag:s6], $0x2000  }
0xea: {  	[sflag:s6] =	ssyncset.done $0x0  }
0xeb: {  	s21 =	rddreg [dreg:$0x12];
	[sflag:s6] =	ssyncadd.s32 $0xFFFFE000  }
0xec: {  	[hbm4b:s21+s2] =	stream.linear.scatter [tilespmem:s26], [sflag:$0x5], $0x2000, $0x38;
	[tilespmem:$0x8400] =	vst v63  }
0xed: {  	_ =	swait.ge [sflag:s20], $0x2000  }
0xee: {  	[sflag:s20] =	ssyncset.done $0x0  }
0xef: {  	[sflag:s20] =	ssyncadd.s32 $0xFFFFE000  }
0xf0: {  	_ =	swait.ge [sflag:s8], $0x100  }
0xf1: {  	[sflag:s8] =	ssyncset.done $0x0  }
0xf2: {  	[sflag:s8] =	ssyncadd.s32 $0xFFFFFF00  }
0xf3: {  	[tilespmem:s9], [sflag:$0x3] =	stream.indirect.gather [hbm4b:s3+s25], $0x20, s5, s25, $0xb8;
	[tilespmem:$0x8400] =	vst v63  }
0xf4: {  	s23 =	simm.s32 $0x280;
	s28 =	simm.s32 $0x5400  }
0xf5: {  	[tilespmem:s28], [sflag:$0x3] =	stream.indirect.gather [hbm4b:s3+s25], $0x20, s23, s25, $0xb8;
	[tilespmem:$0x8400] =	vst v63  }
0xf6: {  	s1 =	rddreg [dreg:$0x16]  }
0xf7: {  	[tilespmem:s12], [sflag:$0xC] =	stream.linear.gather [hbm4b:s1+s2], $0x100, $0x38;
	[tilespmem:$0x8400] =	vst v63  }
0xf8: {  	_ =	swait.ge [sflag:s13], $0x2000  }
0xf9: {  	[sflag:s13] =	ssyncset.done $0x0  }
0xfa: {  	s10 =	rddreg [dreg:$0x13];
	[sflag:s13] =	ssyncadd.s32 $0xFFFFE000  }
0xfb: {  	[hbm4b:s10+s2] =	stream.linear.scatter [tilespmem:s31], [sflag:$0x6], $0x2000, $0x38;
	[tilespmem:$0x8400] =	vst v63  }
0xfc: {  	_ =	swait.ge [sflag:s22], $0x2000  }
0xfd: {  	[sflag:s22] =	ssyncset.done $0x0  }
0xfe: {  	[sflag:s22] =	ssyncadd.s32 $0xFFFFE000  }
0xff: {  	_ =	swait.ge [sflag:s14], $0x100  }
0x100: {  	[sflag:s14] =	ssyncset.done $0x0  }
0x101: {  	[sflag:s14] =	ssyncadd.s32 $0xFFFFFF00  }
0x102: {  	[tilespmem:s4], [sflag:$0x4] =	stream.indirect.gather [hbm4b:s3+s25], $0x20, s12, s25, $0xb8;
	[tilespmem:$0x8400] =	vst v63  }
0x103: {  	_ = 	snop  }
0x104: {  	[tilespmem:s15], [sflag:$0x4] =	stream.indirect.gather [hbm4b:s3+s25], $0x20, s7, s25, $0xb8;
	[tilespmem:$0x8400] =	vst v63  }
0x105: {  	_ =	swait.ge [sflag:s16], $0x2000  }
0x106: {  	[sflag:s16] =	ssyncset.done $0x0  }
0x107: {  	s11 =	rddreg [dreg:$0x14];
	[sflag:s16] =	ssyncadd.s32 $0xFFFFE000  }
0x108: {  	[hbm4b:s11+s2] =	stream.linear.scatter [tilespmem:s9], [sflag:$0x7], $0x2000, $0x38;
	[tilespmem:$0x8400] =	vst v63  }
0x109: {  	_ =	swait.ge [sflag:s18], $0x2000  }
0x10a: {  	[sflag:s18] =	ssyncset.done $0x0  }
0x10b: {  	s21 =	rddreg [dreg:$0x15];
	[sflag:s18] =	ssyncadd.s32 $0xFFFFE000  }
0x10c: {  	[hbm4b:s21+s2] =	stream.linear.scatter [tilespmem:s4], [sflag:$0x8], $0x2000, $0x38;
	[tilespmem:$0x8400] =	vst v63  }
0x10d: {  	_ =	swait.ge [sflag:s17], $0x2000  }
0x10e: {  	[sflag:s17] =	ssyncset.done $0x0  }
0x10f: {  	[sflag:s17] =	ssyncadd.s32 $0xFFFFE000  }
0x110: {  	_ =	swait.ge [sflag:s19], $0x2000  }
0x111: {  	[sflag:s19] =	ssyncset.done $0x0  }
0x112: {  	[sflag:s19] =	ssyncadd.s32 $0xFFFFE000  }
0x113: {  	_ =	swait.ge [sflag:s20], $0x2000  }
0x114: {  	[sflag:s20] =	ssyncset.done $0x0  }
0x115: {  	[sflag:s20] =	ssyncadd.s32 $0xFFFFE000  }
0x116: {  	_ =	swait.ge [sflag:s22], $0x2000  }
0x117: {  	s23 =	rddreg [dreg:$0x1b]  }
0x118: {  	s28 =	rddreg [dreg:$0x17];
	s1 =	sadd.s32 $0x1, s23  }
0x119: {  	p0 =	sne.s32 s1, s28  }
.Ltmp1:
0x11a: {  	_ = 	snop;
	(pc) =	sbr.rel @p0 .LBB2_1-.Ltmp1, $3  }
0x11b: {  	_ =	sdelay $0x1  }
0x11c: {  	[sflag:s22] =	ssyncset.done $0x0  }
0x11d: {  	[sflag:s22] =	ssyncadd.s32 $0xFFFFE000  }
0x11e: {  	_ =	sfence.sel $0x180000  }
0x11f: {  	[bflag:$0x0] =	sbarrier.arrive $0xFFFF  }
0x120: {  	_ =	strace $0x90000047  }
0x121: {  	s0 =	stileid.u32;
	[bflag:$0x2] =	sbarrier.arrive $0xFFFF  }
0x122: {  	p0 =	sne.s32 s0, $0x0;
	s0 =	rddreg [dreg:$0x2]  }
0x123: {  	s0 =	sadd.s32 @!p0 $0x100000, s0  }
0x124: {  	[sflag:s0] =	ssyncadd.tile.s32 @!p0 $0x1;
	_ =	shalt  }
.Lfunc_end2:
_tile_overlayer_lowered:
.L_overlay_start_2:
0x125: {  	(tag) =	ssettag $0x2  }
0x126: {  	s0 =	rddreg [dreg:$0x0];
	s2 =	stileid.u32  }
0x127: {  	s1 =	rddreg [dreg:$0x1];
	p0 =	sne.s32 s2, $0x0  }
0x128: {  	s3 =	rddreg [dreg:$0x2];
	[bflag:$0x3] =	sbarrier.arrive $0xFFFF;
	s2 =	simm.s32 @!p0 $0x1C0D  }
0x129: {  	[timem:s3], [sflag:s2] =	dma.local @!p0 [hbm:s0], s1  }
0x12a: {  	s0 =	simm.s32 @!p0 $0xD  }
0x12b: {  	_ =	swait.ge @!p0 [sflag:s0], s1  }
0x12c: {  	s1 =	ssub.s32 @!p0 $0x0, s1;
	[sflag:s0] =	ssyncset.done @!p0 $0x0  }
0x12d: {  	[sflag:s0] =	ssyncadd.s32 @!p0 s1  }
0x12e: {  	[bflag:$0x3] =	sbarrier.arrive $0xFFFF  }
0x12f: {  	_ =	shalt  }

// kernel: sparse-core-data-format-call.cloned.1.call-start
scs
called_computation_lowered:
.L_overlay_start_0:
0x0: {  	s2 =	sld [smem:$0x3FD9]  }
0x1: {  	s3 =	sld [smem:$0x3FFE];
	_ =	sdelay $0x1  }
0x2: {  	s1 =	srdreg.scid  }
0x3: {  	s0 =	sand.u32 $0x1, s1  }
0x4: {  	s18 =	sshll.u32 s0, $0xA;
	s2 =	sadd.s32 s3, s2  }
0x5: {  	s2 =	sadd.s32 s2, s18  }
0x6: {  	[smem:$0x3FC6] =	sst s2  }
0x7: {  	_ = 	snop  }
0x8: {  	s2 =	sld [smem:$0x3FD0];
	(tm) =	ssettm $0x1  }
0x9: {  	s19 =	sld [smem:$0x3FFB];
	_ =	sdelay $0x3  }
0xa: {  	_ =	strace s19  }
0xb: {  	s3 =	sld [smem:$0x3FFC];
	_ =	sdelay $0x3  }
0xc: {  	_ =	strace s3  }
0xd: {  	s3 =	sld [smem:$0x3FFD];
	_ =	sdelay $0x3  }
0xe: {  	_ =	strace s3  }
0xf: {  	_ =	strace $0x8FFFFFFF  }
0x10: {  	s20 =	sld [smem:$0x3FDB];
	_ =	sdelay $0x1  }
0x11: {  	s4 =	simm.s32 $_scs_section_size  }
0x12: {  	s5 =	simm.s32 $_size__tile_overlayer_lowered;
	s6 =	simm.s32 $_tile_overlayer_lowered  }
0x13: {  	s23 =	simm.s32 $0x1BFF;
	s22 =	sshll.u32 s6, $0x1;
	s3 =	sadd.s32 s4, s20  }
0x14: {  	s7 =	simm.s32 $0x0;
	s21 =	sshll.u32 s5, $0x1;
	s5 =	sadd.s32 s22, s3  }
0x15: {  	[timem:s7], [sflag:s23] =	dma.local [hbm:s5], s21  }
0x16: {  	_ =	swait.ge [sflag:s23], s21  }
0x17: {  	s4 =	ssub.s32 $0x0, s21;
	[sflag:s23] =	ssyncset.done $0x0  }
0x18: {  	[sflag:s23] =	ssyncadd.s32 s4;
	_ =	sdelay $0x1  }
0x19: {  	s24 =	simm.s32 $0x1B8B  }
0x1a: {  	_ =	swait.ge [sflag:s24], $0x1  }
0x1b: {  	[sflag:s24] =	ssyncset.done $0x0  }
0x1c: {  	s26 =	simm.s32 $0x1B8E;
	s25 =	sld [smem:$0x3FFE];
	[sflag:s24] =	ssyncadd.s32 $0xFFFFFFFF  }
0x1d: {  	s27 =	simm.s32 $execute0_lowered;
	[smem:$0x3FD2] =	sst s26  }
0x1e: {  	s5 =	sshll.u32 s27, $0x1;
	_ =	strace $0x80000049;
	[dreg:$0x1] =	wrdreg $0xFFFFFFFF  }
0x1f: {  	s28 =	simm.s32 $_size_execute0_lowered;
	s3 =	sadd.s32 s3, s5;
	[dreg:$0x0] =	wrdreg $0x0  }
0x20: {  	s5 =	sshll.u32 s28, $0x1;
	[dreg:$0x2] =	wrdreg s3  }
0x21: {  	[dreg:$0x3] =	wrdreg s5  }
0x22: {  	[dreg:$0x4] =	wrdreg $0xC0  }
0x23: {  	_ =	task [dreg:s7], $0x5FFFF  }
0x24: {  	[dreg:$0x1] =	wrdreg $0xFFFFFFFF  }
0x25: {  	[dreg:$0x0] =	wrdreg $0x60  }
0x26: {  	[dreg:$0x2] =	wrdreg s25  }
0x27: {  	[dreg:$0x3] =	wrdreg s2  }
0x28: {  	[dreg:$0x4] =	wrdreg $0x9  }
0x29: {  	_ =	task.clear_ibuf [dreg:s7], $0x5FFFF;
	_ =	strace $0x90000049  }
0x2a: {  	s29 =	simm.s32 $0x9;
	_ =	strace $0x8000004B  }
0x2b: {  	_ =	swait.ge [sflag:s29], $0x1  }
0x2c: {  	[sflag:s29] =	ssyncadd.s32 $0xFFFFFFFF  }
0x2d: {  	_ =	strace $0x9000004B  }
0x2e: {  	_ =	sfence  }
0x2f: {  	s30 =	sld [smem:$0x0];
	_ =	sdelay $0x2  }
0x30: {  	s31 =	sshll.u32 s1, $0xD;
	s1 =	sshrl.u32 s1, $0x2  }
0x31: {  	s3 =	sand.u32 $0x4000, s31;
	s1 =	sadd.s32 s1, s30  }
0x32: {  	s0 =	sor.u32 s3, s0;
	s1 =	sshll.u32 s1, $0x11  }
0x33: {  	s0 =	sor.u32 s1, s0  }
0x34: {  	s0 =	sadd.s32 $0x8F2B, s0  }
0x35: {  	[sflag:s0] =	ssyncadd.remote.s32 $0x1  }
0x36: {  	_ =	sfence.sel $0xFFFF  }
0x37: {  	[dreg:$0x0] =	wrdreg $0xFFFFFFFF;
	(pc) =	sbr.abs _section_cstart, $3  }
0x38: {  	[dreg:$0x1] =	wrdreg $0xFFFFFFFF  }
0x39: {  	_ =	task.clear_ibuf [dreg:s7], $0x2FFFF;
	_ =	strace $0x9FFFFFFF  }
0x3a: {  	(tm) =	ssettm $0x7FFFFFFF  }
0x3b: {  	_ =	shalt  }
tec
execute0_lowered:
.L_overlay_start_1:
0x0: {  	(tag) =	ssettag $0x1  }
0x1: {  	s0 =	srdreg.scid  }
0x2: {  	s1 =	sshll.u32 s0, $0x4  }
0x3: {  	s0 =	stileid.u32;
	s1 =	sand.u32 $0x10, s1  }
0x4: {  	s7 =	rddreg [dreg:$0x0];
	s1 =	sor.u32 s0, s1  }
0x5: {  	s4 =	simm.s32 $0x1;
	s8 =	simm.s32 $0x2;
	s2 =	sshll.u32 s1, $0x7  }
0x6: {  	s13 =	simm.s32 $0x0;
	s9 =	simm.s32 $0x20000;
	s1 =	ssub.s32 $0x4000, s2  }
0x7: {  	s14 =	simm.s32 $0x0;
	s11 =	simm.s32 $0x0;
	s3 =	sand.u32 $0xF80, s1  }
0x8: {  	s12 =	simm.s32 $0x0;
	s5 =	sshrl.u32 s1, $0xC;
	p0 =	sne.s32 s3, $0x0  }
.Ltmp0:
0x9: {  	s1 =	rddreg [dreg:$0x2];
	s4 =	simm.s32 @!p0 $0x0;
	(pc) =	sbr.rel .LBB1_1-.Ltmp0, $4  }
0xa: {  	s6 =	sadd.s32 $0xA00, s7;
	s3 =	rddreg [dreg:$0x1];
	s5 =	sadd.s32 s4, s5  }
0xb: {  	_ =	strace $0x8000004A;
	s4 =	simm.s32 $0x1;
	s5 =	smul.u32 $0x19, s5  }
0xc: {  	s7 =	sadd.s32 $0x40A00, s7;
	s10 =	smov.u32 s2;
	[sflag:s4] =	ssyncpa.u1 $0x0  }
0xd: {  	p0 =	por $0x0, $0x0;
	[sflag:s8] =	ssyncpa.u1 $0x0;
	s8 =	sadd.s32 $0x1, s5  }
.LBB1_7:
0xe: {  	s15 =	sadd.s32 $0x1000, s10  }
0xf: {  	s13 =	sadd.s32 $0x2, s11;
	s17 =	smov.u32 s11;
	p2 =	sgt.s32 s15, $0x3FFF  }
0x10: {  	s17 =	smov.u32 @p2 s13  }
0x11: {  	s15 =	smov.u32 @p2 s2;
	p2 =	sgt.s32 s17, $0x31  }
0x12: {  	s17 =	simm.s32 @p2 $0x0;
	p2 =	sne.s32 s12, s8  }
.Ltmp1:
0x13: {  	p1 =	slt.u32 s12, $0x2;
	(pc) =	sbr.rel @!p2 .LBB1_8-.Ltmp1, $4  }
0x14: {  	s16 =	simm.s32 @!p1 $0x2  }
0x15: {  	s14 =	smov.u32 s11;
	p0 =	por !p0, !p0;
	_ =	swait.ge @!p1 [sflag:s16], $0x2000  }
0x16: {  	s13 =	smov.u32 s10;
	[sflag:s16] =	ssyncset.done @!p1 $0x0;
	s10 =	smov.u32 s15  }
0x17: {  	s12 =	sadd.s32 $0x1, s12;
	[sflag:s16] =	ssyncadd.s32 @!p1 $0xFFFFE000;
	s11 =	smov.u32 s17  }
.LBB1_1:
0x18: {  	p1 =	sge.u32 s12, s5  }
0x19: {  	s15 =	sxor.u32 @!p1 $0xFFFFFFFF, s12;
	s16 =	sshll.u32 @!p1 s11, $0x12  }
0x1a: {  	s17 =	sshll.u32 @!p1 s10, $0x4;
	s19 =	simm.s32 @!p1 $0x20;
	s20 =	simm.s32 @!p1 $0x80  }
0x1b: {  	s15 =	sshll.u32 @!p1 s15, $0xD;
	s17 =	sand.u32 @!p1 $0x3FFF0, s17;
	s18 =	sadd.s32 @!p1 s6, s16  }
0x1c: {  	s16 =	sadd.s32 @!p1 s16, s7;
	s15 =	sand.u32 @!p1 $0x2000, s15;
	s18 =	sadd.s32 @!p1 s17, s18  }
0x1d: {  	[tilespmem:s15], [sflag:$0x1] =	stream.strided.gather @!p1 [hbm4b:s18+s19], $0x1000, s20, s19, $0x38;
	[tilespmem:$0x8080] =	vst v63  }
0x1e: {  	s31 =	sadd.s32 $0xFFFFFFFF, s12;
	s16 =	sadd.s32 @!p1 s17, s16;
	s15 =	sor.u32 @!p1 $0x1000, s15  }
0x1f: {  	[tilespmem:s15], [sflag:$0x1] =	stream.strided.gather @!p1 [hbm4b:s16+s19], $0x1000, s20, s19, $0x38;
	[tilespmem:$0x8080] =	vst v63  }
0x20: {  	p1 =	sge.u32 s31, s5  }
.Ltmp2:
0x21: {  	_ = 	snop;
	(pc) =	sbr.rel @p1 .LBB1_7-.Ltmp2, $1  }
0x22: {  	_ =	sdelay $0x3  }
0x23: {  	s15 =	simm.s32 $0x1;
	s17 =	sand.u32 $0x1, s12  }
0x24: {  	_ =	swait.ge [sflag:s4], $0x2000;
	s15 =	simm.s32 @!p0 $0x0;
	s17 =	smul.u32 $0x8100, s17  }
0x25: {  	p2 =	por $0x1, $0x1;
	[sflag:s4] =	ssyncset.done $0x0;
	s16 =	smul.u32 $0x8100, s15  }
0x26: {  	s18 =	sshll.u32 s15, $0xF;
	[sflag:s4] =	ssyncadd.s32 $0xFFFFE000;
	s30 =	sshrl.u32 s17, $0x2  }
0x27: {  	s31 =	sshrl.u32 s18, $0x2;
	s18 =	simm.s32 $0x0;
	s16 =	sshrl.u32 s16, $0x2  }
0x28: {  	s15 =	sor.u32 $0x4000, s30;
	s17 =	sadd.s32 $0x10, s31;
	s16 =	sor.u32 $0x4000, s16  }
.LBB1_3:
0x29: {  	s19 =	sshll.u32 s18, $0xC  }
0x2a: {  	s19 =	sand.u32 $0x3FFFF000, s19  }
0x2b: {  	s20 =	sadd.s32 s19, s17  }
0x2c: {  	s31 =	smul.u32 $0x4080, s18;
	v1 =	vld [tilespmem:s20+$0x0]  }
0x2d: {  	v0 =	vld [tilespmem:s20+$0xFFFFFFF0]  }
0x2e: {  	s18 =	sshra.s32 s31, $0x2  }
0x2f: {  	s18 =	sadd.s32 s18, s16  }
0x30: {  	s21 =	sadd.s32 $0x0, s18  }
0x31: {  	p1 =	por p2, p2;
	s19 =	simm.s32 $0x4;
	s20 =	sadd.s32 $0x20, s20;
	[tilespmem:s21+$0x810 ss:$0x81] =	vst.msk $0xffff, v1  }
.LBB1_4:
0x32: {  	v1 =	vld [tilespmem:s20+$0x0];
	p2 =	sne.s32 s19, $0x1FC;
	[tilespmem:s21+$0x0 ss:$0x81] =	vst.msk $0xffff, v0;
	s21 =	smov.u32 s19;
	s19 =	sadd.s32 $0x4, s19  }
.Ltmp3:
0x33: {  	v0 =	vld [tilespmem:s20+$0xFFFFFFF0];
	(pc) =	sbr.rel @p2 .LBB1_4-.Ltmp3, $4  }
0x34: {  	_ = 	snop  }
0x35: {  	s21 =	sshra.s32 s21, $0x2  }
0x36: {  	s21 =	sadd.s32 s21, s18  }
0x37: {  	s20 =	sadd.s32 $0x20, s20;
	[tilespmem:s21+$0x810 ss:$0x81] =	vst.msk $0xffff, v1  }
.Ltmp4:
0x38: {  	(pc) =	sbr.rel @p1 .LBB1_3-.Ltmp4, $2  }
0x39: {  	_ =	sdelay $0x2  }
0x3a: {  	[tilespmem:s21+$0x0 ss:$0x81] =	vst.msk $0xffff, v0;
	s18 =	simm.s32 $0x1;
	p2 =	por $0x0, $0x0  }
0x3b: {  	s16 =	sshll.u32 s13, $0x3;
	s17 =	sand.u32 $0x78, s13;
	s14 =	sshll.u32 s14, $0x10  }
.Ltmp5:
0x3c: {  	s30 =	sand.u32 $0xF800, s13;
	s16 =	sand.u32 $0x3C00, s16;
	(pc) =	sbr.rel .LBB1_7-.Ltmp5, $4  }
0x3d: {  	s31 =	sand.u32 $0x7, s13;
	s14 =	sadd.s32 s3, s14;
	s16 =	sor.u32 s17, s16  }
0x3e: {  	s13 =	sshll.u32 s31, $0x12;
	s14 =	sadd.s32 s30, s14;
	s16 =	sshrl.u32 s16, $0x3  }
0x3f: {  	s13 =	sor.u32 $0x400, s13;
	s14 =	sadd.s32 s16, s14  }
0x40: {  	[hbm4b:s14+s13] =	stream.strided.scatter [tilespmem:s15], [sflag:$0x2], $0x2000, s9, s13, $0x20;
	[tilespmem:$0x8080] =	vst v63  }
.LBB1_8:
0x41: {  	_ =	sfence.sel $0x180000  }
0x42: {  	s2 =	simm.s32 $0x1;
	[bflag:$0x0] =	sbarrier.arrive $0xFFFF  }
0x43: {  	s31 =	simm.s32 $0x2;
	[sflag:s2] =	ssyncpa.u1 $0x1  }
0x44: {  	[sflag:s31] =	ssyncpa.u1 $0x1  }
0x45: {  	p0 =	sne.s32 s0, $0x0;
	_ =	strace $0x9000004A  }
0x46: {  	s0 =	sadd.s32 @!p0 $0x100000, s1;
	[bflag:$0x2] =	sbarrier.arrive $0xFFFF  }
0x47: {  	[sflag:s0] =	ssyncadd.tile.s32 @!p0 $0x1;
	_ =	shalt  }
.Lfunc_end1:
_tile_overlayer_lowered:
.L_overlay_start_2:
0x48: {  	(tag) =	ssettag $0x2  }
0x49: {  	s0 =	rddreg [dreg:$0x0];
	s2 =	stileid.u32  }
0x4a: {  	s1 =	rddreg [dreg:$0x1];
	p0 =	sne.s32 s2, $0x0  }
0x4b: {  	s3 =	rddreg [dreg:$0x2];
	[bflag:$0x3] =	sbarrier.arrive $0xFFFF;
	s2 =	simm.s32 @!p0 $0x1C01  }
0x4c: {  	[timem:s3], [sflag:s2] =	dma.local @!p0 [hbm:s0], s1  }
0x4d: {  	s0 =	simm.s32 @!p0 $0x1  }
0x4e: {  	_ =	swait.ge @!p0 [sflag:s0], s1  }
0x4f: {  	s1 =	ssub.s32 @!p0 $0x0, s1;
	[sflag:s0] =	ssyncset.done @!p0 $0x0  }
0x50: {  	[sflag:s0] =	ssyncadd.s32 @!p0 s1  }
0x51: {  	[bflag:$0x3] =	sbarrier.arrive $0xFFFF  }
0x52: {  	_ =	shalt  }

</sc_bundles>
